<compile_context>
chip_gen: v7x
topology: tpu7x:2x2x1
jax: 0.10.2.dev20260603
libtpu: 0.0.44.dev20260713+nightly
codegen_flags: <defaults>
</compile_context>

<pallas_src>
import functools
import jax
import jax.numpy as jnp
from jax import lax
from jax.experimental import pallas as pl
from jax.experimental.pallas import tpu as pltpu
from jax.experimental.pallas import tpu_sc as plsc

EMBED_DIM = 768
BATCH = 1024
SEQ = 77
SEQ_PAD = 80
NUM_WORKERS = 32
NB_PER_W = BATCH // NUM_WORKERS


def _sc_gather_padded(table, idx):
  nb = idx.shape[0]
  nb_per_w = nb // NUM_WORKERS
  mesh = plsc.VectorSubcoreMesh(core_axis_name="c", subcore_axis_name="s")

  @functools.partial(
      pl.kernel,
      mesh=mesh,
      out_type=jax.ShapeDtypeStruct((nb, SEQ_PAD, EMBED_DIM), jnp.float32),
      scratch_types=[
          pltpu.VMEM((nb_per_w, SEQ_PAD), jnp.int32),
          pltpu.VMEM((SEQ_PAD, EMBED_DIM), jnp.float32),
          pltpu.VMEM((SEQ_PAD, EMBED_DIM), jnp.float32),
          pltpu.SemaphoreType.DMA,
          pltpu.SemaphoreType.DMA,
          pltpu.SemaphoreType.DMA,
          pltpu.SemaphoreType.DMA,
      ],
  )
  def k(table_hbm, idx_hbm, out_hbm, idx_v, buf0, buf1,
        gsem0, gsem1, ssem0, ssem1):
    wid = lax.axis_index("s") * 2 + lax.axis_index("c")
    base = wid * nb_per_w
    pltpu.sync_copy(idx_hbm.at[pl.ds(base, nb_per_w)], idx_v)

    bufs = (buf0, buf1)
    gsems = (gsem0, gsem1)
    ssems = (ssem0, ssem1)

    def gather(j, p):
      return pltpu.async_copy(table_hbm.at[idx_v.at[j]], bufs[p], gsems[p])

    def store(j, p):
      return pltpu.async_copy(bufs[p], out_hbm.at[base + j], ssems[p])

    gather(0, 0).wait()
    gather(1, 1)
    store(0, 0)

    def pair_body(m, carry):
      g = 1 + 2 * m
      for (j, p) in ((g, 1), (g + 1, 0)):
        q = 1 - p
        pltpu.make_async_copy(
            table_hbm.at[idx_v.at[j]], bufs[p], gsems[p]).wait()
        pltpu.make_async_copy(
            bufs[q], out_hbm.at[base + j - 1], ssems[q]).wait()
        gather(j + 1, q)
        store(j, p)
      return carry

    lax.fori_loop(0, (nb_per_w - 2) // 2, pair_body, 0, unroll=False)

    j_last = nb_per_w - 1
    pltpu.make_async_copy(
        table_hbm.at[idx_v.at[j_last]], bufs[1], gsems[1]).wait()
    pltpu.make_async_copy(
        bufs[0], out_hbm.at[base + j_last - 1], ssems[0]).wait()
    store(j_last, 1)
    pltpu.make_async_copy(
        bufs[1], out_hbm.at[base + j_last], ssems[1]).wait()

  return k(table, idx)


def kernel(x, token_embedding):
  idx_pad = jnp.pad(x.astype(jnp.int32), ((0, 0), (0, SEQ_PAD - SEQ)),
                    mode="edge")
  padded = _sc_gather_padded(token_embedding, idx_pad)
  return padded[:, :SEQ, :]

# --- scband reference (transcript-rebuilt; emitter-appended) ---
"""Pipeline reference for scband-dummy-text-encoder-39986145526246 (READ-ONLY COPY).

The authoritative reference and input builder live on the scoring server;
editing this copy changes nothing except your own understanding.
"""

import jax, jax.numpy as jnp
import numpy as np

VOCAB_SIZE = 49408
EMBED_DIM = 768
BATCH = 1024
SEQ_LEN = 77

def setup_inputs(seed: int = 0) -> dict:
    key = jax.random.key(seed)
    k_idx, k_tab = jax.random.split(key)
    x = jax.random.randint(k_idx, (BATCH, SEQ_LEN), 0, VOCAB_SIZE, dtype=jnp.int64 if jax.config.jax_enable_x64 else jnp.int32)
    token_embedding = jax.random.normal(k_tab, (VOCAB_SIZE, EMBED_DIM), dtype=jnp.float32)
    return {"x": x, "token_embedding": token_embedding}

def reference(x, token_embedding):
    # torch.nn.Embedding: row-gather from the table
    return jnp.take(token_embedding, x, axis=0)

if __name__ == "__main__":
    import jax
    _d = setup_inputs()
    print(jax.jit(kernel)(*tuple(_d.values())))

</pallas_src>

<mosaic_0001>
#map = affine_map<(d0, d1) -> (0, 0)>
#map1 = affine_map<(d0, d1) -> (0, 0, 0)>
module attributes {stable_mosaic.version = 14 : i64} {
  func.func @k(%arg0: i32, %arg1: i32, %arg2: memref<49408x768xf32, #tpu.memory_space<hbm>>, %arg3: memref<1024x80xi32, #tpu.memory_space<hbm>>, %arg4: memref<1024x80x768xf32, #tpu.memory_space<hbm>>, %arg5: memref<32x80xi32, #tpu.memory_space<vmem>>, %arg6: memref<80x768xf32, #tpu.memory_space<vmem>>, %arg7: memref<80x768xf32, #tpu.memory_space<vmem>>, %arg8: memref<!tpu.dma_semaphore, #tpu.memory_space<semaphore_mem>>, %arg9: memref<!tpu.dma_semaphore, #tpu.memory_space<semaphore_mem>>, %arg10: memref<!tpu.dma_semaphore, #tpu.memory_space<semaphore_mem>>, %arg11: memref<!tpu.dma_semaphore, #tpu.memory_space<semaphore_mem>>) attributes {dimension_semantics = [#tpu.dimension_semantics<core_parallel>, #tpu.dimension_semantics<subcore_parallel>], iteration_bounds = array<i64: 2, 16>, scalar_prefetch = 0 : i64, scratch_operands = 7 : i64, tpu.core_type = #tpu.core_type<sc_vector_subcore>, window_params = [{transform_indices = #map}, {transform_indices = #map}, {transform_indices = #map1}]} {
    %mul3A = arith.constant 2 : i32
    %mul3A_0 = arith.muli %arg1, %mul3A : i32
    %add3A = arith.addi %mul3A_0, %arg0 : i32
    %mul3A_1 = arith.constant 32 : i32
    %mul3A_2 = arith.muli %add3A, %mul3A_1 : i32
    "tpu.region"() ({
      %run_scoped3A = tpu.sem_alloc : memref<!tpu.dma_semaphore, #tpu.memory_space<semaphore_mem>>
      %dma_start3A_75 = arith.constant 0 : i32
      %dma_start3A_76 = tpu.memref_slice %arg3[%mul3A_2, %dma_start3A_75] : memref<1024x80xi32, #tpu.memory_space<hbm>> -> memref<32x80xi32, #tpu.memory_space<hbm>>
      %dma_start3A_77 = arith.constant 0 : i32
      %dma_start3A_78 = tpu.memref_slice %arg3[%mul3A_2, %dma_start3A_77] : memref<1024x80xi32, #tpu.memory_space<hbm>> -> memref<32x80xi32, #tpu.memory_space<hbm>>
      tpu.enqueue_dma source(%dma_start3A_78 : memref<32x80xi32, #tpu.memory_space<hbm>>) target(%arg5 : memref<32x80xi32, #tpu.memory_space<vmem>>) target_semaphore(%run_scoped3A : memref<!tpu.dma_semaphore, #tpu.memory_space<semaphore_mem>>)
      %dma_wait3A_79 = arith.constant 0 : i32
      %dma_wait3A_80 = tpu.memref_slice %arg3[%mul3A_2, %dma_wait3A_79] : memref<1024x80xi32, #tpu.memory_space<hbm>> -> memref<32x80xi32, #tpu.memory_space<hbm>>
      %dma_wait3A_81 = arith.constant 0 : i32
      %dma_wait3A_82 = tpu.memref_slice %arg3[%mul3A_2, %dma_wait3A_81] : memref<1024x80xi32, #tpu.memory_space<hbm>> -> memref<32x80xi32, #tpu.memory_space<hbm>>
      tpu.wait_dma2 semaphore(%run_scoped3A : memref<!tpu.dma_semaphore, #tpu.memory_space<semaphore_mem>>) src(%dma_wait3A_82 : memref<32x80xi32, #tpu.memory_space<hbm>>) dst(%arg5 : memref<32x80xi32, #tpu.memory_space<vmem>>)
      tpu.yield
    }) : () -> ()
    %dma_start3A = arith.constant 0 : i32
    %dma_start3A_3 = arith.constant 0 : i32
    %dma_start3A_4 = tpu.memref_slice %arg5[%dma_start3A, %dma_start3A_3] : memref<32x80xi32, #tpu.memory_space<vmem>> -> memref<1x80xi32, #tpu.memory_space<vmem>>
    %dma_start3A_5 = tpu.memref_squeeze %dma_start3A_4 : memref<1x80xi32, #tpu.memory_space<vmem>> -> memref<80xi32, #tpu.memory_space<vmem>>
    %dma_start3A_6 = arith.constant 0 : i32
    %dma_start3A_7 = arith.constant 0 : i32
    %dma_start3A_8 = tpu.memref_slice %arg2[%dma_start3A_6, %dma_start3A_7] : memref<49408x768xf32, #tpu.memory_space<hbm>> -> memref<49408x768xf32, #tpu.memory_space<hbm>>
    tpu.enqueue_indirect_dma source(%dma_start3A_8 : memref<49408x768xf32, #tpu.memory_space<hbm>>) target(%arg6 : memref<80x768xf32, #tpu.memory_space<vmem>>) offsets(%dma_start3A_5 : memref<80xi32, #tpu.memory_space<vmem>>) semaphore(%arg8 : memref<!tpu.dma_semaphore, #tpu.memory_space<semaphore_mem>>)
    %dma_wait3A = arith.constant 0 : i32
    %dma_wait3A_9 = arith.constant 0 : i32
    %dma_wait3A_10 = tpu.memref_slice %arg5[%dma_wait3A, %dma_wait3A_9] : memref<32x80xi32, #tpu.memory_space<vmem>> -> memref<1x80xi32, #tpu.memory_space<vmem>>
    %dma_wait3A_11 = tpu.memref_squeeze %dma_wait3A_10 : memref<1x80xi32, #tpu.memory_space<vmem>> -> memref<80xi32, #tpu.memory_space<vmem>>
    %dma_wait3A_12 = arith.constant 0 : i32
    %dma_wait3A_13 = arith.constant 0 : i32
    %dma_wait3A_14 = tpu.memref_slice %arg2[%dma_wait3A_12, %dma_wait3A_13] : memref<49408x768xf32, #tpu.memory_space<hbm>> -> memref<49408x768xf32, #tpu.memory_space<hbm>>
    tpu.wait_indirect_dma semaphore(%arg8 : memref<!tpu.dma_semaphore, #tpu.memory_space<semaphore_mem>>) src(%dma_wait3A_14 : memref<49408x768xf32, #tpu.memory_space<hbm>>) dst(%arg6 : memref<80x768xf32, #tpu.memory_space<vmem>>)
    %dma_start3A_15 = arith.constant 1 : i32
    %dma_start3A_16 = arith.constant 0 : i32
    %dma_start3A_17 = tpu.memref_slice %arg5[%dma_start3A_15, %dma_start3A_16] : memref<32x80xi32, #tpu.memory_space<vmem>> -> memref<1x80xi32, #tpu.memory_space<vmem>>
    %dma_start3A_18 = tpu.memref_squeeze %dma_start3A_17 : memref<1x80xi32, #tpu.memory_space<vmem>> -> memref<80xi32, #tpu.memory_space<vmem>>
    %dma_start3A_19 = arith.constant 0 : i32
    %dma_start3A_20 = arith.constant 0 : i32
    %dma_start3A_21 = tpu.memref_slice %arg2[%dma_start3A_19, %dma_start3A_20] : memref<49408x768xf32, #tpu.memory_space<hbm>> -> memref<49408x768xf32, #tpu.memory_space<hbm>>
    tpu.enqueue_indirect_dma source(%dma_start3A_21 : memref<49408x768xf32, #tpu.memory_space<hbm>>) target(%arg7 : memref<80x768xf32, #tpu.memory_space<vmem>>) offsets(%dma_start3A_18 : memref<80xi32, #tpu.memory_space<vmem>>) semaphore(%arg9 : memref<!tpu.dma_semaphore, #tpu.memory_space<semaphore_mem>>)
    %add3A_22 = arith.constant 0 : i32
    %add3A_23 = arith.addi %mul3A_2, %add3A_22 : i32
    %dma_start3A_24 = arith.constant 0 : i32
    %dma_start3A_25 = arith.constant 0 : i32
    %dma_start3A_26 = tpu.memref_slice %arg4[%add3A_23, %dma_start3A_24, %dma_start3A_25] : memref<1024x80x768xf32, #tpu.memory_space<hbm>> -> memref<1x80x768xf32, #tpu.memory_space<hbm>>
    %dma_start3A_27 = tpu.memref_squeeze %dma_start3A_26 : memref<1x80x768xf32, #tpu.memory_space<hbm>> -> memref<80x768xf32, #tpu.memory_space<hbm>>
    %dma_start3A_28 = arith.constant 0 : i32
    %dma_start3A_29 = arith.constant 0 : i32
    %dma_start3A_30 = tpu.memref_slice %arg4[%add3A_23, %dma_start3A_28, %dma_start3A_29] : memref<1024x80x768xf32, #tpu.memory_space<hbm>> -> memref<1x80x768xf32, #tpu.memory_space<hbm>>
    %dma_start3A_31 = tpu.memref_squeeze %dma_start3A_30 : memref<1x80x768xf32, #tpu.memory_space<hbm>> -> memref<80x768xf32, #tpu.memory_space<hbm>>
    tpu.enqueue_dma source(%arg6 : memref<80x768xf32, #tpu.memory_space<vmem>>) target(%dma_start3A_31 : memref<80x768xf32, #tpu.memory_space<hbm>>) target_semaphore(%arg10 : memref<!tpu.dma_semaphore, #tpu.memory_space<semaphore_mem>>)
    %scan3A = arith.constant 0 : i32
    %scan3A_32 = arith.constant 0 : i32
    %scan3A_33 = arith.constant 15 : i32
    %scan3A_34 = arith.addi %scan3A_32, %scan3A_33 : i32
    %scan3A_35 = arith.constant 1 : i32
    scf.for %scan3A_75 = %scan3A_32 to %scan3A_34 step %scan3A_35  : i32 {
      %mul3A_76 = arith.constant 2 : i32
      %mul3A_77 = arith.muli %mul3A_76, %scan3A_75 : i32
      %add3A_78 = arith.constant 1 : i32
      %add3A_79 = arith.addi %add3A_78, %mul3A_77 : i32
      %add3A_80 = arith.constant 1 : i32
      %add3A_81 = arith.addi %add3A_79, %add3A_80 : i32
      %dma_wait3A_82 = arith.constant 0 : i32
      %dma_wait3A_83 = tpu.memref_slice %arg5[%add3A_79, %dma_wait3A_82] : memref<32x80xi32, #tpu.memory_space<vmem>> -> memref<1x80xi32, #tpu.memory_space<vmem>>
      %dma_wait3A_84 = tpu.memref_squeeze %dma_wait3A_83 : memref<1x80xi32, #tpu.memory_space<vmem>> -> memref<80xi32, #tpu.memory_space<vmem>>
      %dma_wait3A_85 = arith.constant 0 : i32
      %dma_wait3A_86 = arith.constant 0 : i32
      %dma_wait3A_87 = tpu.memref_slice %arg2[%dma_wait3A_85, %dma_wait3A_86] : memref<49408x768xf32, #tpu.memory_space<hbm>> -> memref<49408x768xf32, #tpu.memory_space<hbm>>
      tpu.wait_indirect_dma semaphore(%arg9 : memref<!tpu.dma_semaphore, #tpu.memory_space<semaphore_mem>>) src(%dma_wait3A_87 : memref<49408x768xf32, #tpu.memory_space<hbm>>) dst(%arg7 : memref<80x768xf32, #tpu.memory_space<vmem>>)
      %add3A_88 = arith.addi %mul3A_2, %add3A_79 : i32
      %sub3A_89 = arith.constant 1 : i32
      %sub3A_90 = arith.subi %add3A_88, %sub3A_89 : i32
      %dma_wait3A_91 = arith.constant 0 : i32
      %dma_wait3A_92 = arith.constant 0 : i32
      %dma_wait3A_93 = tpu.memref_slice %arg4[%sub3A_90, %dma_wait3A_91, %dma_wait3A_92] : memref<1024x80x768xf32, #tpu.memory_space<hbm>> -> memref<1x80x768xf32, #tpu.memory_space<hbm>>
      %dma_wait3A_94 = tpu.memref_squeeze %dma_wait3A_93 : memref<1x80x768xf32, #tpu.memory_space<hbm>> -> memref<80x768xf32, #tpu.memory_space<hbm>>
      %dma_wait3A_95 = arith.constant 0 : i32
      %dma_wait3A_96 = arith.constant 0 : i32
      %dma_wait3A_97 = tpu.memref_slice %arg4[%sub3A_90, %dma_wait3A_95, %dma_wait3A_96] : memref<1024x80x768xf32, #tpu.memory_space<hbm>> -> memref<1x80x768xf32, #tpu.memory_space<hbm>>
      %dma_wait3A_98 = tpu.memref_squeeze %dma_wait3A_97 : memref<1x80x768xf32, #tpu.memory_space<hbm>> -> memref<80x768xf32, #tpu.memory_space<hbm>>
      tpu.wait_dma2 semaphore(%arg10 : memref<!tpu.dma_semaphore, #tpu.memory_space<semaphore_mem>>) src(%arg6 : memref<80x768xf32, #tpu.memory_space<vmem>>) dst(%dma_wait3A_98 : memref<80x768xf32, #tpu.memory_space<hbm>>)
      %add3A_99 = arith.constant 1 : i32
      %add3A_100 = arith.addi %add3A_79, %add3A_99 : i32
      %dma_start3A_101 = arith.constant 0 : i32
      %dma_start3A_102 = tpu.memref_slice %arg5[%add3A_100, %dma_start3A_101] : memref<32x80xi32, #tpu.memory_space<vmem>> -> memref<1x80xi32, #tpu.memory_space<vmem>>
      %dma_start3A_103 = tpu.memref_squeeze %dma_start3A_102 : memref<1x80xi32, #tpu.memory_space<vmem>> -> memref<80xi32, #tpu.memory_space<vmem>>
      %dma_start3A_104 = arith.constant 0 : i32
      %dma_start3A_105 = arith.constant 0 : i32
      %dma_start3A_106 = tpu.memref_slice %arg2[%dma_start3A_104, %dma_start3A_105] : memref<49408x768xf32, #tpu.memory_space<hbm>> -> memref<49408x768xf32, #tpu.memory_space<hbm>>
      tpu.enqueue_indirect_dma source(%dma_start3A_106 : memref<49408x768xf32, #tpu.memory_space<hbm>>) target(%arg6 : memref<80x768xf32, #tpu.memory_space<vmem>>) offsets(%dma_start3A_103 : memref<80xi32, #tpu.memory_space<vmem>>) semaphore(%arg8 : memref<!tpu.dma_semaphore, #tpu.memory_space<semaphore_mem>>)
      %add3A_107 = arith.addi %mul3A_2, %add3A_79 : i32
      %dma_start3A_108 = arith.constant 0 : i32
      %dma_start3A_109 = arith.constant 0 : i32
      %dma_start3A_110 = tpu.memref_slice %arg4[%add3A_107, %dma_start3A_108, %dma_start3A_109] : memref<1024x80x768xf32, #tpu.memory_space<hbm>> -> memref<1x80x768xf32, #tpu.memory_space<hbm>>
      %dma_start3A_111 = tpu.memref_squeeze %dma_start3A_110 : memref<1x80x768xf32, #tpu.memory_space<hbm>> -> memref<80x768xf32, #tpu.memory_space<hbm>>
      %dma_start3A_112 = arith.constant 0 : i32
      %dma_start3A_113 = arith.constant 0 : i32
      %dma_start3A_114 = tpu.memref_slice %arg4[%add3A_107, %dma_start3A_112, %dma_start3A_113] : memref<1024x80x768xf32, #tpu.memory_space<hbm>> -> memref<1x80x768xf32, #tpu.memory_space<hbm>>
      %dma_start3A_115 = tpu.memref_squeeze %dma_start3A_114 : memref<1x80x768xf32, #tpu.memory_space<hbm>> -> memref<80x768xf32, #tpu.memory_space<hbm>>
      tpu.enqueue_dma source(%arg7 : memref<80x768xf32, #tpu.memory_space<vmem>>) target(%dma_start3A_115 : memref<80x768xf32, #tpu.memory_space<hbm>>) target_semaphore(%arg11 : memref<!tpu.dma_semaphore, #tpu.memory_space<semaphore_mem>>)
      %dma_wait3A_116 = arith.constant 0 : i32
      %dma_wait3A_117 = tpu.memref_slice %arg5[%add3A_81, %dma_wait3A_116] : memref<32x80xi32, #tpu.memory_space<vmem>> -> memref<1x80xi32, #tpu.memory_space<vmem>>
      %dma_wait3A_118 = tpu.memref_squeeze %dma_wait3A_117 : memref<1x80xi32, #tpu.memory_space<vmem>> -> memref<80xi32, #tpu.memory_space<vmem>>
      %dma_wait3A_119 = arith.constant 0 : i32
      %dma_wait3A_120 = arith.constant 0 : i32
      %dma_wait3A_121 = tpu.memref_slice %arg2[%dma_wait3A_119, %dma_wait3A_120] : memref<49408x768xf32, #tpu.memory_space<hbm>> -> memref<49408x768xf32, #tpu.memory_space<hbm>>
      tpu.wait_indirect_dma semaphore(%arg8 : memref<!tpu.dma_semaphore, #tpu.memory_space<semaphore_mem>>) src(%dma_wait3A_121 : memref<49408x768xf32, #tpu.memory_space<hbm>>) dst(%arg6 : memref<80x768xf32, #tpu.memory_space<vmem>>)
      %add3A_122 = arith.addi %mul3A_2, %add3A_81 : i32
      %sub3A_123 = arith.constant 1 : i32
      %sub3A_124 = arith.subi %add3A_122, %sub3A_123 : i32
      %dma_wait3A_125 = arith.constant 0 : i32
      %dma_wait3A_126 = arith.constant 0 : i32
      %dma_wait3A_127 = tpu.memref_slice %arg4[%sub3A_124, %dma_wait3A_125, %dma_wait3A_126] : memref<1024x80x768xf32, #tpu.memory_space<hbm>> -> memref<1x80x768xf32, #tpu.memory_space<hbm>>
      %dma_wait3A_128 = tpu.memref_squeeze %dma_wait3A_127 : memref<1x80x768xf32, #tpu.memory_space<hbm>> -> memref<80x768xf32, #tpu.memory_space<hbm>>
      %dma_wait3A_129 = arith.constant 0 : i32
      %dma_wait3A_130 = arith.constant 0 : i32
      %dma_wait3A_131 = tpu.memref_slice %arg4[%sub3A_124, %dma_wait3A_129, %dma_wait3A_130] : memref<1024x80x768xf32, #tpu.memory_space<hbm>> -> memref<1x80x768xf32, #tpu.memory_space<hbm>>
      %dma_wait3A_132 = tpu.memref_squeeze %dma_wait3A_131 : memref<1x80x768xf32, #tpu.memory_space<hbm>> -> memref<80x768xf32, #tpu.memory_space<hbm>>
      tpu.wait_dma2 semaphore(%arg11 : memref<!tpu.dma_semaphore, #tpu.memory_space<semaphore_mem>>) src(%arg7 : memref<80x768xf32, #tpu.memory_space<vmem>>) dst(%dma_wait3A_132 : memref<80x768xf32, #tpu.memory_space<hbm>>)
      %add3A_133 = arith.constant 1 : i32
      %add3A_134 = arith.addi %add3A_81, %add3A_133 : i32
      %dma_start3A_135 = arith.constant 0 : i32
      %dma_start3A_136 = tpu.memref_slice %arg5[%add3A_134, %dma_start3A_135] : memref<32x80xi32, #tpu.memory_space<vmem>> -> memref<1x80xi32, #tpu.memory_space<vmem>>
      %dma_start3A_137 = tpu.memref_squeeze %dma_start3A_136 : memref<1x80xi32, #tpu.memory_space<vmem>> -> memref<80xi32, #tpu.memory_space<vmem>>
      %dma_start3A_138 = arith.constant 0 : i32
      %dma_start3A_139 = arith.constant 0 : i32
      %dma_start3A_140 = tpu.memref_slice %arg2[%dma_start3A_138, %dma_start3A_139] : memref<49408x768xf32, #tpu.memory_space<hbm>> -> memref<49408x768xf32, #tpu.memory_space<hbm>>
      tpu.enqueue_indirect_dma source(%dma_start3A_140 : memref<49408x768xf32, #tpu.memory_space<hbm>>) target(%arg7 : memref<80x768xf32, #tpu.memory_space<vmem>>) offsets(%dma_start3A_137 : memref<80xi32, #tpu.memory_space<vmem>>) semaphore(%arg9 : memref<!tpu.dma_semaphore, #tpu.memory_space<semaphore_mem>>)
      %add3A_141 = arith.addi %mul3A_2, %add3A_81 : i32
      %dma_start3A_142 = arith.constant 0 : i32
      %dma_start3A_143 = arith.constant 0 : i32
      %dma_start3A_144 = tpu.memref_slice %arg4[%add3A_141, %dma_start3A_142, %dma_start3A_143] : memref<1024x80x768xf32, #tpu.memory_space<hbm>> -> memref<1x80x768xf32, #tpu.memory_space<hbm>>
      %dma_start3A_145 = tpu.memref_squeeze %dma_start3A_144 : memref<1x80x768xf32, #tpu.memory_space<hbm>> -> memref<80x768xf32, #tpu.memory_space<hbm>>
      %dma_start3A_146 = arith.constant 0 : i32
      %dma_start3A_147 = arith.constant 0 : i32
      %dma_start3A_148 = tpu.memref_slice %arg4[%add3A_141, %dma_start3A_146, %dma_start3A_147] : memref<1024x80x768xf32, #tpu.memory_space<hbm>> -> memref<1x80x768xf32, #tpu.memory_space<hbm>>
      %dma_start3A_149 = tpu.memref_squeeze %dma_start3A_148 : memref<1x80x768xf32, #tpu.memory_space<hbm>> -> memref<80x768xf32, #tpu.memory_space<hbm>>
      tpu.enqueue_dma source(%arg6 : memref<80x768xf32, #tpu.memory_space<vmem>>) target(%dma_start3A_149 : memref<80x768xf32, #tpu.memory_space<hbm>>) target_semaphore(%arg10 : memref<!tpu.dma_semaphore, #tpu.memory_space<semaphore_mem>>)
    }
    %scan3A_36 = arith.constant 15 : i32
    %dma_wait3A_37 = arith.constant 31 : i32
    %dma_wait3A_38 = arith.constant 0 : i32
    %dma_wait3A_39 = tpu.memref_slice %arg5[%dma_wait3A_37, %dma_wait3A_38] : memref<32x80xi32, #tpu.memory_space<vmem>> -> memref<1x80xi32, #tpu.memory_space<vmem>>
    %dma_wait3A_40 = tpu.memref_squeeze %dma_wait3A_39 : memref<1x80xi32, #tpu.memory_space<vmem>> -> memref<80xi32, #tpu.memory_space<vmem>>
    %dma_wait3A_41 = arith.constant 0 : i32
    %dma_wait3A_42 = arith.constant 0 : i32
    %dma_wait3A_43 = tpu.memref_slice %arg2[%dma_wait3A_41, %dma_wait3A_42] : memref<49408x768xf32, #tpu.memory_space<hbm>> -> memref<49408x768xf32, #tpu.memory_space<hbm>>
    tpu.wait_indirect_dma semaphore(%arg9 : memref<!tpu.dma_semaphore, #tpu.memory_space<semaphore_mem>>) src(%dma_wait3A_43 : memref<49408x768xf32, #tpu.memory_space<hbm>>) dst(%arg7 : memref<80x768xf32, #tpu.memory_space<vmem>>)
    %add3A_44 = arith.constant 31 : i32
    %add3A_45 = arith.addi %mul3A_2, %add3A_44 : i32
    %sub3A = arith.constant 1 : i32
    %sub3A_46 = arith.subi %add3A_45, %sub3A : i32
    %dma_wait3A_47 = arith.constant 0 : i32
    %dma_wait3A_48 = arith.constant 0 : i32
    %dma_wait3A_49 = tpu.memref_slice %arg4[%sub3A_46, %dma_wait3A_47, %dma_wait3A_48] : memref<1024x80x768xf32, #tpu.memory_space<hbm>> -> memref<1x80x768xf32, #tpu.memory_space<hbm>>
    %dma_wait3A_50 = tpu.memref_squeeze %dma_wait3A_49 : memref<1x80x768xf32, #tpu.memory_space<hbm>> -> memref<80x768xf32, #tpu.memory_space<hbm>>
    %dma_wait3A_51 = arith.constant 0 : i32
    %dma_wait3A_52 = arith.constant 0 : i32
    %dma_wait3A_53 = tpu.memref_slice %arg4[%sub3A_46, %dma_wait3A_51, %dma_wait3A_52] : memref<1024x80x768xf32, #tpu.memory_space<hbm>> -> memref<1x80x768xf32, #tpu.memory_space<hbm>>
    %dma_wait3A_54 = tpu.memref_squeeze %dma_wait3A_53 : memref<1x80x768xf32, #tpu.memory_space<hbm>> -> memref<80x768xf32, #tpu.memory_space<hbm>>
    tpu.wait_dma2 semaphore(%arg10 : memref<!tpu.dma_semaphore, #tpu.memory_space<semaphore_mem>>) src(%arg6 : memref<80x768xf32, #tpu.memory_space<vmem>>) dst(%dma_wait3A_54 : memref<80x768xf32, #tpu.memory_space<hbm>>)
    %add3A_55 = arith.constant 31 : i32
    %add3A_56 = arith.addi %mul3A_2, %add3A_55 : i32
    %dma_start3A_57 = arith.constant 0 : i32
    %dma_start3A_58 = arith.constant 0 : i32
    %dma_start3A_59 = tpu.memref_slice %arg4[%add3A_56, %dma_start3A_57, %dma_start3A_58] : memref<1024x80x768xf32, #tpu.memory_space<hbm>> -> memref<1x80x768xf32, #tpu.memory_space<hbm>>
    %dma_start3A_60 = tpu.memref_squeeze %dma_start3A_59 : memref<1x80x768xf32, #tpu.memory_space<hbm>> -> memref<80x768xf32, #tpu.memory_space<hbm>>
    %dma_start3A_61 = arith.constant 0 : i32
    %dma_start3A_62 = arith.constant 0 : i32
    %dma_start3A_63 = tpu.memref_slice %arg4[%add3A_56, %dma_start3A_61, %dma_start3A_62] : memref<1024x80x768xf32, #tpu.memory_space<hbm>> -> memref<1x80x768xf32, #tpu.memory_space<hbm>>
    %dma_start3A_64 = tpu.memref_squeeze %dma_start3A_63 : memref<1x80x768xf32, #tpu.memory_space<hbm>> -> memref<80x768xf32, #tpu.memory_space<hbm>>
    tpu.enqueue_dma source(%arg7 : memref<80x768xf32, #tpu.memory_space<vmem>>) target(%dma_start3A_64 : memref<80x768xf32, #tpu.memory_space<hbm>>) target_semaphore(%arg11 : memref<!tpu.dma_semaphore, #tpu.memory_space<semaphore_mem>>)
    %add3A_65 = arith.constant 31 : i32
    %add3A_66 = arith.addi %mul3A_2, %add3A_65 : i32
    %dma_wait3A_67 = arith.constant 0 : i32
    %dma_wait3A_68 = arith.constant 0 : i32
    %dma_wait3A_69 = tpu.memref_slice %arg4[%add3A_66, %dma_wait3A_67, %dma_wait3A_68] : memref<1024x80x768xf32, #tpu.memory_space<hbm>> -> memref<1x80x768xf32, #tpu.memory_space<hbm>>
    %dma_wait3A_70 = tpu.memref_squeeze %dma_wait3A_69 : memref<1x80x768xf32, #tpu.memory_space<hbm>> -> memref<80x768xf32, #tpu.memory_space<hbm>>
    %dma_wait3A_71 = arith.constant 0 : i32
    %dma_wait3A_72 = arith.constant 0 : i32
    %dma_wait3A_73 = tpu.memref_slice %arg4[%add3A_66, %dma_wait3A_71, %dma_wait3A_72] : memref<1024x80x768xf32, #tpu.memory_space<hbm>> -> memref<1x80x768xf32, #tpu.memory_space<hbm>>
    %dma_wait3A_74 = tpu.memref_squeeze %dma_wait3A_73 : memref<1x80x768xf32, #tpu.memory_space<hbm>> -> memref<80x768xf32, #tpu.memory_space<hbm>>
    tpu.wait_dma2 semaphore(%arg11 : memref<!tpu.dma_semaphore, #tpu.memory_space<semaphore_mem>>) src(%arg7 : memref<80x768xf32, #tpu.memory_space<vmem>>) dst(%dma_wait3A_74 : memref<80x768xf32, #tpu.memory_space<hbm>>)
    return
  }
}

</mosaic_0001>

<sc_bundles>
// kernel: kernel.3.cloned.1.call-start
scs
__scs_entry_jumppad:
0x0: {  	(pc) =	sbr.rel $0x88, $3  }
0x1: {  	(tag) =	ssettag $0x0;
	lr =	simm.s32 $0x1  }
0x2: {  	[smem:$0x3F9F] =	sst lr;
	_ =	strace $0xD0000000  }
0x3: {  	_ = 	snop  }
0x4: {  	_ = 	snop  }
0x5: {  	_ = 	snop  }
0x6: {  	_ = 	snop  }
0x7: {  	_ = 	snop  }
__scs_overlays_trampoline_lowered:
0x8: {  	[smem:$0x3FAE] =	sst s0  }
0x9: {  	[smem:$0x3FAF] =	sst s1  }
0xa: {  	[smem:$0x3FB0] =	sst s2  }
0xb: {  	[smem:$0x3FB1] =	sst s3  }
0xc: {  	[smem:$0x3FB2] =	sst s4  }
0xd: {  	[smem:$0x3FB3] =	sst s5  }
0xe: {  	[smem:$0x3FB4] =	sst s6  }
0xf: {  	[smem:$0x3FB5] =	sst s7  }
0x10: {  	[smem:$0x3FB6] =	sst s8  }
0x11: {  	[smem:$0x3FB7] =	sst s9;
	s0 =	simm.s32 @!p0 $0x0  }
0x12: {  	s1 =	sld [smem:$0x3F9D];
	s0 =	simm.s32 @p0 $0x1  }
0x13: {  	[smem:$0x3FB8] =	sst s0;
	s0 =	simm.s32 @!p1 $0x0  }
0x14: {  	s2 =	sld [smem:$0x3F9C];
	s0 =	simm.s32 @p1 $0x1  }
0x15: {  	[smem:$0x3FB9] =	sst s0;
	s0 =	simm.s32 @!p2 $0x0  }
0x16: {  	s3 =	sld [smem:$0x3FDB];
	s0 =	simm.s32 @p2 $0x1  }
0x17: {  	s4 =	simm.s32 $0x1BF5;
	[smem:$0x3FBB] =	sst s0  }
0x18: {  	s0 =	sld [smem:$0x3F9E];
	_ =	swait.ge [sflag:s4], $0x0  }
0x19: {  	s7 =	sld [smem:$0x3F9F]  }
0x1a: {  	s8 =	sadd.s32 $0xFFFFE003, lr  }
0x1b: {  	s9 =	sadd.s32 $0xFFFFFEF7, lr;
	s5 =	simm.s32 $0xFFFFFFFF;
	p2 =	slt.u32 s8, $0xFFFFF086  }
0x1c: {  	p1 =	slt.u32 s9, $0xF7A;
	s5 =	simm.s32 @!p2 $0x0  }
0x1d: {  	s5 =	simm.s32 @p1 $0x1;
	p0 =	seq.s32 s7, s2  }
0x1e: {  	s7 =	smul.u32 @!p0 $0xF7A, s2;
	p2 =	seq.s32 @!p0 s5, $0x0  }
0x1f: {  	s9 =	smul.u32 $0xF7A, s1;
	s8 =	simm.s32 @!p0 $0x1BF5;
	p2 =	por !p2, p0  }
0x20: {  	[sflag:s8] =	ssyncset.s32 @!p0 $0xFFFFF086;
	s6 =	sadd.s32 @!p0 s3, s7;
	s7 =	simm.s32 @!p0 $0x108  }
0x21: {  	s3 =	sadd.s32 s3, s9;
	s6 =	sadd.s32 @!p0 $0x88, s6;
	s7 =	simm.s32 @p2 $0x1082  }
0x22: {  	[simem:s7], [sflag:s8] =	dma.local @!p0 [hbm:s6], $0xF7A  }
0x23: {  	s9 =	sor.u32 $0xD0000000, s2;
	s6 =	simm.s32 $0x108;
	_ =	swait.ge @!p0 [sflag:s8], $0x0  }
0x24: {  	s3 =	sadd.s32 $0x88, s3;
	s6 =	simm.s32 @!p1 $0x1082;
	[sflag:s4] =	ssyncset.s32 $0xFFFFF086  }
0x25: {  	[simem:s6], [sflag:s4] =	dma.local [hbm:s3], $0xF7A  }
0x26: {  	[smem:$0x3F9F] =	sst s1;
	(tag) =	ssettag s2;
	_ =	strace s9  }
0x27: {  	s1 =	sld [smem:$0x3FAF]  }
0x28: {  	s2 =	sld [smem:$0x3FB0]  }
0x29: {  	s4 =	sld [smem:$0x3FB2]  }
0x2a: {  	p0 =	seq.s32 s5, $0x0;
	s5 =	sld [smem:$0x3FB3]  }
0x2b: {  	s6 =	sld [smem:$0x3FB4]  }
0x2c: {  	s7 =	sld [smem:$0x3FB5]  }
0x2d: {  	s3 =	simm.s32 $0x108;
	s8 =	sld [smem:$0x3FB6]  }
0x2e: {  	s3 =	simm.s32 @!p0 $0x1082;
	s9 =	sld [smem:$0x3FB7]  }
0x2f: {  	lr =	sadd.s32 s0, s3;
	s0 =	sld [smem:$0x3FAE]  }
0x30: {  	s3 =	sld [smem:$0x3FB1]  }
0x31: {  	[smem:$0x3FBA] =	sst s10  }
0x32: {  	s10 =	sld [smem:$0x3FB8];
	_ =	sdelay $0x3  }
0x33: {  	p0 =	seq.s32 s10, $0x1;
	s10 =	sld [smem:$0x3FBA];
	_ =	sdelay $0x3  }
0x34: {  	[smem:$0x3FBA] =	sst s10  }
0x35: {  	s10 =	sld [smem:$0x3FB9];
	_ =	sdelay $0x3  }
0x36: {  	p1 =	seq.s32 s10, $0x1;
	s10 =	sld [smem:$0x3FBA];
	_ =	sdelay $0x3  }
0x37: {  	[smem:$0x3FBA] =	sst s10  }
0x38: {  	s10 =	sld [smem:$0x3FBB]  }
0x39: {  	_ = 	snop;
	(pc) =	sbr.ind lr, $3  }
0x3a: {  	_ = 	snop  }
0x3b: {  	_ = 	snop  }
0x3c: {  	p2 =	seq.s32 s10, $0x1;
	s10 =	sld [smem:$0x3FBA]  }
0x3d: {  	_ =	shalt  }
0x3e: {  	_ =	shalt  }
0x3f: {  	_ =	shalt  }
0x40: {  	_ =	shalt  }
0x41: {  	_ =	shalt  }
0x42: {  	_ =	shalt  }
0x43: {  	_ =	shalt  }
0x44: {  	_ =	shalt  }
0x45: {  	_ =	shalt  }
0x46: {  	_ =	shalt  }
0x47: {  	_ =	shalt  }
0x48: {  	_ =	shalt  }
0x49: {  	_ =	shalt  }
0x4a: {  	_ =	shalt  }
0x4b: {  	_ =	shalt  }
0x4c: {  	_ =	shalt  }
0x4d: {  	_ =	shalt  }
0x4e: {  	_ =	shalt  }
0x4f: {  	_ =	shalt  }
0x50: {  	_ =	shalt  }
0x51: {  	_ =	shalt  }
0x52: {  	_ =	shalt  }
0x53: {  	_ =	shalt  }
0x54: {  	_ =	shalt  }
0x55: {  	_ =	shalt  }
0x56: {  	_ =	shalt  }
0x57: {  	_ =	shalt  }
0x58: {  	_ =	shalt  }
0x59: {  	_ =	shalt  }
0x5a: {  	_ =	shalt  }
0x5b: {  	_ =	shalt  }
0x5c: {  	_ =	shalt  }
0x5d: {  	_ =	shalt  }
0x5e: {  	_ =	shalt  }
0x5f: {  	_ =	shalt  }
0x60: {  	_ =	shalt  }
0x61: {  	_ =	shalt  }
0x62: {  	_ =	shalt  }
0x63: {  	_ =	shalt  }
0x64: {  	_ =	shalt  }
0x65: {  	_ =	shalt  }
0x66: {  	_ =	shalt  }
0x67: {  	_ =	shalt  }
0x68: {  	_ =	shalt  }
0x69: {  	_ =	shalt  }
0x6a: {  	_ =	shalt  }
0x6b: {  	_ =	shalt  }
0x6c: {  	_ =	shalt  }
0x6d: {  	_ =	shalt  }
0x6e: {  	_ =	shalt  }
0x6f: {  	_ =	shalt  }
0x70: {  	_ =	shalt  }
0x71: {  	_ =	shalt  }
0x72: {  	_ =	shalt  }
0x73: {  	_ =	shalt  }
0x74: {  	_ =	shalt  }
0x75: {  	_ =	shalt  }
0x76: {  	_ =	shalt  }
0x77: {  	_ =	shalt  }
0x78: {  	_ =	shalt  }
0x79: {  	_ =	shalt  }
0x7a: {  	_ =	shalt  }
0x7b: {  	_ =	shalt  }
0x7c: {  	_ =	shalt  }
0x7d: {  	_ =	shalt  }
0x7e: {  	_ =	shalt  }
0x7f: {  	_ =	shalt  }
0x80: {  	_ =	shalt  }
0x81: {  	_ =	shalt  }
0x82: {  	_ =	shalt  }
0x83: {  	_ =	shalt  }
0x84: {  	_ =	shalt  }
0x85: {  	_ =	shalt  }
0x86: {  	_ =	shalt  }
0x87: {  	_ =	shalt  }
.Lfunc_end0:
.L_simem_size_0:
called_computation.1_lowered:
.L_overlay_start_0:
0x88: {  	s2 =	sld [smem:$0x3FD9]  }
0x89: {  	s3 =	sld [smem:$0x3FFE];
	_ =	sdelay $0x1  }
0x8a: {  	s1 =	srdreg.scid  }
0x8b: {  	s0 =	sand.u32 $0x1, s1  }
0x8c: {  	s17 =	sshll.u32 s0, $0xA;
	s2 =	sadd.s32 s3, s2  }
0x8d: {  	s2 =	sadd.s32 s2, s17  }
0x8e: {  	[smem:$0x3FC6] =	sst s2  }
0x8f: {  	_ = 	snop  }
0x90: {  	s2 =	sld [smem:$0x3FC8]  }
0x91: {  	s18 =	sld [smem:$0x3FD0];
	(tm) =	ssettm $0x1  }
0x92: {  	s4 =	sld [smem:$0x3FFB];
	_ =	sdelay $0x3  }
0x93: {  	_ =	strace s4  }
0x94: {  	s4 =	sld [smem:$0x3FFC];
	_ =	sdelay $0x3  }
0x95: {  	_ =	strace s4  }
0x96: {  	s4 =	sld [smem:$0x3FFD];
	_ =	sdelay $0x3  }
0x97: {  	_ =	strace s4  }
0x98: {  	_ =	strace $0x8FFFFFFF  }
0x99: {  	s19 =	sld [smem:$0x3FDB];
	_ =	sdelay $0x1  }
0x9a: {  	s5 =	simm.s32 $_scs_section_size  }
0x9b: {  	s6 =	simm.s32 $_size__tile_overlayer_lowered;
	s7 =	simm.s32 $_tile_overlayer_lowered  }
0x9c: {  	s22 =	simm.s32 $0x1BFF;
	s21 =	sshll.u32 s7, $0x1;
	s4 =	sadd.s32 s5, s19  }
0x9d: {  	s8 =	simm.s32 $0x0;
	s20 =	sshll.u32 s6, $0x1;
	s6 =	sadd.s32 s21, s4  }
0x9e: {  	[timem:s8], [sflag:s22] =	dma.local [hbm:s6], s20  }
0x9f: {  	_ =	swait.ge [sflag:s22], s20  }
0xa0: {  	s5 =	ssub.s32 $0x0, s20;
	[sflag:s22] =	ssyncset.done $0x0  }
0xa1: {  	[sflag:s22] =	ssyncadd.s32 s5;
	_ =	sdelay $0x1  }
0xa2: {  	s23 =	simm.s32 $0x1B8B  }
0xa3: {  	_ =	swait.ge [sflag:s23], $0x1  }
0xa4: {  	[sflag:s23] =	ssyncset.done $0x0  }
0xa5: {  	s25 =	simm.s32 $0x1B8E;
	s24 =	sld [smem:$0x3FFE];
	[sflag:s23] =	ssyncadd.s32 $0xFFFFFFFF  }
0xa6: {  	s26 =	simm.s32 $execute0_lowered;
	[smem:$0x3FD2] =	sst s25  }
0xa7: {  	s6 =	sshll.u32 s26, $0x1;
	_ =	strace $0x80000046;
	[dreg:$0x1] =	wrdreg $0xFFFFFFFF  }
0xa8: {  	s28 =	simm.s32 $_size_execute0_lowered;
	s4 =	sadd.s32 s4, s6;
	[dreg:$0x0] =	wrdreg $0x0  }
0xa9: {  	s6 =	sshll.u32 s28, $0x1;
	[dreg:$0x2] =	wrdreg s4  }
0xaa: {  	[dreg:$0x3] =	wrdreg s6  }
0xab: {  	[dreg:$0x4] =	wrdreg $0xC0  }
0xac: {  	_ =	task [dreg:s8], $0x5FFFF  }
0xad: {  	[dreg:$0x1] =	wrdreg $0xFFFFFFFF  }
0xae: {  	[dreg:$0x0] =	wrdreg $0x60  }
0xaf: {  	[dreg:$0x2] =	wrdreg s2  }
0xb0: {  	[dreg:$0x3] =	wrdreg s18  }
0xb1: {  	[dreg:$0x4] =	wrdreg s24  }
0xb2: {  	[dreg:$0x5] =	wrdreg $0x9  }
0xb3: {  	_ =	task.clear_ibuf [dreg:s8], $0x6FFFF;
	_ =	strace $0x90000046  }
0xb4: {  	s29 =	simm.s32 $0x9;
	_ =	strace $0x80000048  }
0xb5: {  	_ =	swait.ge [sflag:s29], $0x1  }
0xb6: {  	[sflag:s29] =	ssyncadd.s32 $0xFFFFFFFF  }
0xb7: {  	_ =	strace $0x90000048  }
0xb8: {  	_ =	sfence  }
0xb9: {  	s30 =	sld [smem:$0x0];
	_ =	sdelay $0x2  }
0xba: {  	s31 =	sshll.u32 s1, $0xD;
	s1 =	sshrl.u32 s1, $0x2  }
0xbb: {  	s3 =	sand.u32 $0x4000, s31;
	s1 =	sadd.s32 s1, s30  }
0xbc: {  	s0 =	sor.u32 s3, s0;
	s1 =	sshll.u32 s1, $0x11  }
0xbd: {  	s0 =	sor.u32 s1, s0  }
0xbe: {  	s0 =	sadd.s32 $0x8F2B, s0  }
0xbf: {  	[sflag:s0] =	ssyncadd.remote.s32 $0x1  }
0xc0: {  	_ =	sfence.sel $0xFFFF  }
0xc1: {  	[dreg:$0x0] =	wrdreg $0xFFFFFFFF;
	(pc) =	sbr.abs _section_cstart, $3  }
0xc2: {  	[dreg:$0x1] =	wrdreg $0xFFFFFFFF  }
0xc3: {  	_ =	task.clear_ibuf [dreg:s8], $0x2FFFF;
	_ =	strace $0x9FFFFFFF  }
0xc4: {  	(tm) =	ssettm $0x7FFFFFFF  }
0xc5: {  	_ =	shalt  }
tec
execute0_lowered:
.L_overlay_start_1:
0x0: {  	(tag) =	ssettag $0x1  }
0x1: {  	s1 =	rddreg [dreg:$0x0]  }
0x2: {  	s0 =	rddreg [dreg:$0x1]  }
0x3: {  	s2 =	rddreg [dreg:$0x2];
	s3 =	srdreg.scid  }
0x4: {  	s10 =	stileid.u32;
	s28 =	simm.s32 $0x1800;
	s29 =	simm.s32 $0x2000  }
0x5: {  	s30 =	simm.s32 $0x3000;
	s31 =	simm.s32 $0x3800;
	s12 =	simm.s32 $0x7000  }
0x6: {  	s13 =	simm.s32 $0x7800;
	s14 =	simm.s32 $0x8000;
	s17 =	simm.s32 $0x8800  }
0x7: {  	s18 =	simm.s32 $0x9000;
	s19 =	simm.s32 $0x9800;
	s20 =	simm.s32 $0xA000  }
0x8: {  	s21 =	simm.s32 $0xA800;
	s11 =	simm.s32 $0xB000;
	s16 =	simm.s32 $0xB800  }
0x9: {  	s15 =	simm.s32 $0x1;
	s4 =	sand.u32 $0x1, s3;
	s3 =	simm.s32 $0x0  }
0xa: {  	s5 =	sshll.u32 s10, $0x6;
	s2 =	sadd.s32 $0x800, s2;
	s10 =	smul.u32 $0x78000, s10  }
0xb: {  	s6 =	sshll.u32 s4, $0x5;
	[smem:$0x7FF] =	sst s3;
	s22 =	ssub.s32 $0x2, s4  }
0xc: {  	s23 =	smul.u32 $0x3C000, s4;
	s4 =	simm.s32 $0x4800;
	s5 =	sor.u32 s6, s5  }
0xd: {  	_ =	strace $0x80000047;
	s8 =	sshrl.u32 s22, $0x1;
	s6 =	sadd.s32 $0x200, s1  }
0xe: {  	s25 =	sadd.s32 s10, s2;
	s10 =	simm.s32 $0x6800;
	s7 =	smul.u32 $0x1E00, s5  }
0xf: {  	s9 =	smul.u32 $0xF000, s5;
	s8 =	ssub.s32 s22, s8;
	s5 =	sshll.u32 s5, $0x4  }
0x10: {  	s22 =	simm.s32 $0x2;
	s0 =	sadd.s32 s0, s5;
	s5 =	sadd.s32 $0x100, s1  }
0x11: {  	s26 =	smax.u32 s8, $0x1;
	s8 =	simm.s32 $0x5800;
	[dreg:$0x5] =	wrdreg s0  }
0x12: {  	s24 =	sshrl.u32 s9, $0x3;
	s7 =	sadd.s32 s2, s7;
	s0 =	sadd.s32 s23, s25  }
0x13: {  	[dreg:$0x8] =	wrdreg s26;
	s26 =	simm.s32 $0x2800;
	s9 =	simm.s32 $0x6000  }
0x14: {  	s23 =	simm.s32 $0x3;
	s25 =	simm.s32 $0x0;
	[dreg:$0x6] =	wrdreg s7  }
0x15: {  	v2 =	vlaneseq.u32;
	s2 =	sadd.s32 s2, s24;
	[dreg:$0x4] =	wrdreg s0;
	s7 =	simm.s32 $0x5000  }
0x16: {  	vm0 =	vmmov $0xffff;
	v1 =	vshrl.u32 v2, $0x3;
	s0 =	simm.s32 $0x10000;
	[dreg:$0x9] =	wrdreg s25;
	s2 =	sadd.s32 $0x3A200, s2  }
0x17: {  	v0 =	vand.u32 $0x7, v2;
	v2 =	vor.u32 $0x8, v2;
	v1 =	vmul.u32 $0x8, v1;
	s24 =	simm.s32 $0x4;
	[dreg:$0x7] =	wrdreg s2;
	s2 =	simm.s32 $0x4000  }
.LBB2_1:
0x18: {  	s25 =	rddreg [dreg:$0x5]  }
0x19: {  	[tilespmem:s3], [sflag:$0x5] =	stream.linear.gather [hbm4b:s25+s3], $0x1000, $0x38;
	[tilespmem:$0x1F000] =	vst v63  }
0x1a: {  	s25 =	simm.s32 $0x5  }
0x1b: {  	_ =	swait.ge [sflag:s25], $0x1000  }
0x1c: {  	[sflag:s25] =	ssyncset.done $0x0  }
0x1d: {  	[sflag:s25] =	ssyncadd.s32 $0xFFFFF000  }
0x1e: {  	v3 =	vld [tilespmem:$0x0];
	_ =	sdelay $0x4  }
0x1f: {  	v4 =	vshrl.u32 v3, $0x3  }
0x20: {  	v4 =	vmul.u32 $0x30, v4  }
0x21: {  	v3 =	vand.u32 $0x7, v3  }
0x22: {  	v3 =	vor.u32 v3, v4  }
0x23: {  	v4 =	vperm.xlane v3, v0;
	_ =	sdelay $0x1  }
0x24: {  	v4 =	vadd.s32 v1, v4;
	_ =	sdelay $0x3  }
0x25: {  	s25 =	simm.s32 $0x1000;
	v3 =	vperm.xlane v3, v2  }
0x26: {  	[tilespmem:s25], [sflag:$0x1] =	stream.indirect_vreg.gather [hbm4b:s1+s3], $0x80, v4, vm0, $0xb8;
	[tilespmem:$0x1F000] =	vst v63  }
0x27: {  	v3 =	vadd.s32 v1, v3  }
0x28: {  	[tilespmem:s28], [sflag:$0x1] =	stream.indirect_vreg.gather [hbm4b:s5+s3], $0x80, v4, vm0, $0xb8;
	[tilespmem:$0x1F000] =	vst v63  }
0x29: {  	_ = 	snop  }
0x2a: {  	[tilespmem:s29], [sflag:$0x1] =	stream.indirect_vreg.gather [hbm4b:s6+s3], $0x80, v4, vm0, $0xb8;
	[tilespmem:$0x1F000] =	vst v63  }
0x2b: {  	_ = 	snop  }
0x2c: {  	[tilespmem:s26], [sflag:$0x1] =	stream.indirect_vreg.gather [hbm4b:s1+s3], $0x80, v3, vm0, $0xb8;
	[tilespmem:$0x1F000] =	vst v63  }
0x2d: {  	_ = 	snop  }
0x2e: {  	[tilespmem:s30], [sflag:$0x1] =	stream.indirect_vreg.gather [hbm4b:s5+s3], $0x80, v3, vm0, $0xb8;
	[tilespmem:$0x1F000] =	vst v63  }
0x2f: {  	_ = 	snop  }
0x30: {  	[tilespmem:s31], [sflag:$0x1] =	stream.indirect_vreg.gather [hbm4b:s6+s3], $0x80, v3, vm0, $0xb8;
	[tilespmem:$0x1F000] =	vst v63  }
0x31: {  	v3 =	vld [tilespmem:$0x10];
	_ =	sdelay $0x4  }
0x32: {  	v55 =	vshrl.u32 v3, $0x3  }
0x33: {  	v4 =	vmul.u32 $0x30, v55  }
0x34: {  	v3 =	vand.u32 $0x7, v3  }
0x35: {  	v3 =	vor.u32 v3, v4  }
0x36: {  	v4 =	vperm.xlane v3, v0;
	_ =	sdelay $0x1  }
0x37: {  	v4 =	vadd.s32 v1, v4;
	_ =	sdelay $0x3  }
0x38: {  	v3 =	vperm.xlane v3, v2  }
0x39: {  	[tilespmem:s2], [sflag:$0x1] =	stream.indirect_vreg.gather [hbm4b:s1+s3], $0x80, v4, vm0, $0xb8;
	[tilespmem:$0x1F000] =	vst v63  }
0x3a: {  	v3 =	vadd.s32 v1, v3  }
0x3b: {  	[tilespmem:s4], [sflag:$0x1] =	stream.indirect_vreg.gather [hbm4b:s5+s3], $0x80, v4, vm0, $0xb8;
	[tilespmem:$0x1F000] =	vst v63  }
0x3c: {  	_ = 	snop  }
0x3d: {  	[tilespmem:s7], [sflag:$0x1] =	stream.indirect_vreg.gather [hbm4b:s6+s3], $0x80, v4, vm0, $0xb8;
	[tilespmem:$0x1F000] =	vst v63  }
0x3e: {  	_ = 	snop  }
0x3f: {  	[tilespmem:s8], [sflag:$0x1] =	stream.indirect_vreg.gather [hbm4b:s1+s3], $0x80, v3, vm0, $0xb8;
	[tilespmem:$0x1F000] =	vst v63  }
0x40: {  	_ = 	snop  }
0x41: {  	[tilespmem:s9], [sflag:$0x1] =	stream.indirect_vreg.gather [hbm4b:s5+s3], $0x80, v3, vm0, $0xb8;
	[tilespmem:$0x1F000] =	vst v63  }
0x42: {  	_ = 	snop  }
0x43: {  	[tilespmem:s10], [sflag:$0x1] =	stream.indirect_vreg.gather [hbm4b:s6+s3], $0x80, v3, vm0, $0xb8;
	[tilespmem:$0x1F000] =	vst v63  }
0x44: {  	v3 =	vld [tilespmem:$0x20];
	_ =	sdelay $0x4  }
0x45: {  	v56 =	vshrl.u32 v3, $0x3  }
0x46: {  	v4 =	vmul.u32 $0x30, v56  }
0x47: {  	v3 =	vand.u32 $0x7, v3  }
0x48: {  	v3 =	vor.u32 v3, v4  }
0x49: {  	v4 =	vperm.xlane v3, v0;
	_ =	sdelay $0x1  }
0x4a: {  	v4 =	vadd.s32 v1, v4;
	_ =	sdelay $0x3  }
0x4b: {  	v3 =	vperm.xlane v3, v2  }
0x4c: {  	[tilespmem:s12], [sflag:$0x1] =	stream.indirect_vreg.gather [hbm4b:s1+s3], $0x80, v4, vm0, $0xb8;
	[tilespmem:$0x1F000] =	vst v63  }
0x4d: {  	v3 =	vadd.s32 v1, v3  }
0x4e: {  	[tilespmem:s13], [sflag:$0x1] =	stream.indirect_vreg.gather [hbm4b:s5+s3], $0x80, v4, vm0, $0xb8;
	[tilespmem:$0x1F000] =	vst v63  }
0x4f: {  	_ = 	snop  }
0x50: {  	[tilespmem:s14], [sflag:$0x1] =	stream.indirect_vreg.gather [hbm4b:s6+s3], $0x80, v4, vm0, $0xb8;
	[tilespmem:$0x1F000] =	vst v63  }
0x51: {  	_ = 	snop  }
0x52: {  	[tilespmem:s17], [sflag:$0x1] =	stream.indirect_vreg.gather [hbm4b:s1+s3], $0x80, v3, vm0, $0xb8;
	[tilespmem:$0x1F000] =	vst v63  }
0x53: {  	_ = 	snop  }
0x54: {  	[tilespmem:s18], [sflag:$0x1] =	stream.indirect_vreg.gather [hbm4b:s5+s3], $0x80, v3, vm0, $0xb8;
	[tilespmem:$0x1F000] =	vst v63  }
0x55: {  	_ = 	snop  }
0x56: {  	[tilespmem:s19], [sflag:$0x1] =	stream.indirect_vreg.gather [hbm4b:s6+s3], $0x80, v3, vm0, $0xb8;
	[tilespmem:$0x1F000] =	vst v63  }
0x57: {  	v3 =	vld [tilespmem:$0x30];
	_ =	sdelay $0x4  }
0x58: {  	v57 =	vshrl.u32 v3, $0x3  }
0x59: {  	v4 =	vmul.u32 $0x30, v57  }
0x5a: {  	v3 =	vand.u32 $0x7, v3  }
0x5b: {  	v3 =	vor.u32 v3, v4  }
0x5c: {  	v4 =	vperm.xlane v3, v0;
	_ =	sdelay $0x1  }
0x5d: {  	v4 =	vadd.s32 v1, v4;
	_ =	sdelay $0x3  }
0x5e: {  	v3 =	vperm.xlane v3, v2  }
0x5f: {  	[tilespmem:s20], [sflag:$0x1] =	stream.indirect_vreg.gather [hbm4b:s1+s3], $0x80, v4, vm0, $0xb8;
	[tilespmem:$0x1F000] =	vst v63  }
0x60: {  	v3 =	vadd.s32 v1, v3  }
0x61: {  	[tilespmem:s21], [sflag:$0x1] =	stream.indirect_vreg.gather [hbm4b:s5+s3], $0x80, v4, vm0, $0xb8;
	[tilespmem:$0x1F000] =	vst v63  }
0x62: {  	_ = 	snop  }
0x63: {  	[tilespmem:s11], [sflag:$0x1] =	stream.indirect_vreg.gather [hbm4b:s6+s3], $0x80, v4, vm0, $0xb8;
	[tilespmem:$0x1F000] =	vst v63  }
0x64: {  	_ = 	snop  }
0x65: {  	[tilespmem:s16], [sflag:$0x1] =	stream.indirect_vreg.gather [hbm4b:s1+s3], $0x80, v3, vm0, $0xb8;
	[tilespmem:$0x1F000] =	vst v63  }
0x66: {  	s7 =	simm.s32 $0xC000  }
0x67: {  	[tilespmem:s7], [sflag:$0x1] =	stream.indirect_vreg.gather [hbm4b:s5+s3], $0x80, v3, vm0, $0xb8;
	[tilespmem:$0x1F000] =	vst v63  }
0x68: {  	s8 =	simm.s32 $0xC800  }
0x69: {  	[tilespmem:s8], [sflag:$0x1] =	stream.indirect_vreg.gather [hbm4b:s6+s3], $0x80, v3, vm0, $0xb8;
	[tilespmem:$0x1F000] =	vst v63  }
0x6a: {  	v3 =	vld [tilespmem:$0x40];
	_ =	sdelay $0x4  }
0x6b: {  	v58 =	vshrl.u32 v3, $0x3  }
0x6c: {  	v4 =	vmul.u32 $0x30, v58  }
0x6d: {  	v3 =	vand.u32 $0x7, v3  }
0x6e: {  	v3 =	vor.u32 v3, v4  }
0x6f: {  	v4 =	vperm.xlane v3, v0;
	_ =	sdelay $0x1  }
0x70: {  	v4 =	vadd.s32 v1, v4;
	_ =	sdelay $0x3  }
0x71: {  	s9 =	simm.s32 $0xD000;
	v3 =	vperm.xlane v3, v2  }
0x72: {  	[tilespmem:s9], [sflag:$0x1] =	stream.indirect_vreg.gather [hbm4b:s1+s3], $0x80, v4, vm0, $0xb8;
	[tilespmem:$0x1F000] =	vst v63  }
0x73: {  	s10 =	simm.s32 $0xD800;
	v3 =	vadd.s32 v1, v3  }
0x74: {  	[tilespmem:s10], [sflag:$0x1] =	stream.indirect_vreg.gather [hbm4b:s5+s3], $0x80, v4, vm0, $0xb8;
	[tilespmem:$0x1F000] =	vst v63  }
0x75: {  	s11 =	simm.s32 $0xE000  }
0x76: {  	[tilespmem:s11], [sflag:$0x1] =	stream.indirect_vreg.gather [hbm4b:s6+s3], $0x80, v4, vm0, $0xb8;
	[tilespmem:$0x1F000] =	vst v63  }
0x77: {  	s12 =	simm.s32 $0xE800  }
0x78: {  	[tilespmem:s12], [sflag:$0x1] =	stream.indirect_vreg.gather [hbm4b:s1+s3], $0x80, v3, vm0, $0xb8;
	[tilespmem:$0x1F000] =	vst v63  }
0x79: {  	s13 =	simm.s32 $0xF000  }
0x7a: {  	[tilespmem:s13], [sflag:$0x1] =	stream.indirect_vreg.gather [hbm4b:s5+s3], $0x80, v3, vm0, $0xb8;
	[tilespmem:$0x1F000] =	vst v63  }
0x7b: {  	s14 =	simm.s32 $0xF800  }
0x7c: {  	[tilespmem:s14], [sflag:$0x1] =	stream.indirect_vreg.gather [hbm4b:s6+s3], $0x80, v3, vm0, $0xb8;
	[tilespmem:$0x1F000] =	vst v63  }
0x7d: {  	_ =	swait.ge [sflag:s15], $0xF000  }
0x7e: {  	[sflag:s15] =	ssyncset.done $0x0  }
0x7f: {  	[sflag:s15] =	ssyncadd.s32 $0xFFFF1000  }
0x80: {  	v3 =	vld [tilespmem:$0x80];
	_ =	sdelay $0x4  }
0x81: {  	v59 =	vshrl.u32 v3, $0x3  }
0x82: {  	v4 =	vmul.u32 $0x30, v59  }
0x83: {  	v3 =	vand.u32 $0x7, v3  }
0x84: {  	v3 =	vor.u32 v3, v4  }
0x85: {  	v4 =	vperm.xlane v3, v0;
	_ =	sdelay $0x1  }
0x86: {  	v4 =	vadd.s32 v1, v4;
	_ =	sdelay $0x3  }
0x87: {  	v3 =	vperm.xlane v3, v2  }
0x88: {  	[tilespmem:s0], [sflag:$0x2] =	stream.indirect_vreg.gather [hbm4b:s1+s3], $0x80, v4, vm0, $0xb8;
	[tilespmem:$0x1F000] =	vst v63  }
0x89: {  	s16 =	simm.s32 $0x10800;
	v3 =	vadd.s32 v1, v3  }
0x8a: {  	[tilespmem:s16], [sflag:$0x2] =	stream.indirect_vreg.gather [hbm4b:s5+s3], $0x80, v4, vm0, $0xb8;
	[tilespmem:$0x1F000] =	vst v63  }
0x8b: {  	s17 =	simm.s32 $0x11000  }
0x8c: {  	[tilespmem:s17], [sflag:$0x2] =	stream.indirect_vreg.gather [hbm4b:s6+s3], $0x80, v4, vm0, $0xb8;
	[tilespmem:$0x1F000] =	vst v63  }
0x8d: {  	s18 =	simm.s32 $0x11800  }
0x8e: {  	[tilespmem:s18], [sflag:$0x2] =	stream.indirect_vreg.gather [hbm4b:s1+s3], $0x80, v3, vm0, $0xb8;
	[tilespmem:$0x1F000] =	vst v63  }
0x8f: {  	s19 =	simm.s32 $0x12000  }
0x90: {  	[tilespmem:s19], [sflag:$0x2] =	stream.indirect_vreg.gather [hbm4b:s5+s3], $0x80, v3, vm0, $0xb8;
	[tilespmem:$0x1F000] =	vst v63  }
0x91: {  	s20 =	simm.s32 $0x12800  }
0x92: {  	[tilespmem:s20], [sflag:$0x2] =	stream.indirect_vreg.gather [hbm4b:s6+s3], $0x80, v3, vm0, $0xb8;
	[tilespmem:$0x1F000] =	vst v63  }
0x93: {  	v3 =	vld [tilespmem:$0x90];
	_ =	sdelay $0x4  }
0x94: {  	v60 =	vshrl.u32 v3, $0x3  }
0x95: {  	v4 =	vmul.u32 $0x30, v60  }
0x96: {  	v3 =	vand.u32 $0x7, v3  }
0x97: {  	v3 =	vor.u32 v3, v4  }
0x98: {  	v4 =	vperm.xlane v3, v0;
	_ =	sdelay $0x1  }
0x99: {  	v4 =	vadd.s32 v1, v4;
	_ =	sdelay $0x3  }
0x9a: {  	s21 =	simm.s32 $0x13000;
	v3 =	vperm.xlane v3, v2  }
0x9b: {  	[tilespmem:s21], [sflag:$0x2] =	stream.indirect_vreg.gather [hbm4b:s1+s3], $0x80, v4, vm0, $0xb8;
	[tilespmem:$0x1F000] =	vst v63  }
0x9c: {  	s25 =	simm.s32 $0x13800;
	v3 =	vadd.s32 v1, v3  }
0x9d: {  	[tilespmem:s25], [sflag:$0x2] =	stream.indirect_vreg.gather [hbm4b:s5+s3], $0x80, v4, vm0, $0xb8;
	[tilespmem:$0x1F000] =	vst v63  }
0x9e: {  	s26 =	simm.s32 $0x14000  }
0x9f: {  	[tilespmem:s26], [sflag:$0x2] =	stream.indirect_vreg.gather [hbm4b:s6+s3], $0x80, v4, vm0, $0xb8;
	[tilespmem:$0x1F000] =	vst v63  }
0xa0: {  	s30 =	simm.s32 $0x14800  }
0xa1: {  	[tilespmem:s30], [sflag:$0x2] =	stream.indirect_vreg.gather [hbm4b:s1+s3], $0x80, v3, vm0, $0xb8;
	[tilespmem:$0x1F000] =	vst v63  }
0xa2: {  	s2 =	simm.s32 $0x15000  }
0xa3: {  	[tilespmem:s2], [sflag:$0x2] =	stream.indirect_vreg.gather [hbm4b:s5+s3], $0x80, v3, vm0, $0xb8;
	[tilespmem:$0x1F000] =	vst v63  }
0xa4: {  	s4 =	simm.s32 $0x15800  }
0xa5: {  	[tilespmem:s4], [sflag:$0x2] =	stream.indirect_vreg.gather [hbm4b:s6+s3], $0x80, v3, vm0, $0xb8;
	[tilespmem:$0x1F000] =	vst v63  }
0xa6: {  	v3 =	vld [tilespmem:$0xA0];
	_ =	sdelay $0x4  }
0xa7: {  	v61 =	vshrl.u32 v3, $0x3  }
0xa8: {  	v4 =	vmul.u32 $0x30, v61  }
0xa9: {  	v3 =	vand.u32 $0x7, v3  }
0xaa: {  	v3 =	vor.u32 v3, v4  }
0xab: {  	v4 =	vperm.xlane v3, v0;
	_ =	sdelay $0x1  }
0xac: {  	v4 =	vadd.s32 v1, v4;
	_ =	sdelay $0x3  }
0xad: {  	s7 =	simm.s32 $0x16000;
	v3 =	vperm.xlane v3, v2  }
0xae: {  	[tilespmem:s7], [sflag:$0x2] =	stream.indirect_vreg.gather [hbm4b:s1+s3], $0x80, v4, vm0, $0xb8;
	[tilespmem:$0x1F000] =	vst v63  }
0xaf: {  	s8 =	simm.s32 $0x16800;
	v3 =	vadd.s32 v1, v3  }
0xb0: {  	[tilespmem:s8], [sflag:$0x2] =	stream.indirect_vreg.gather [hbm4b:s5+s3], $0x80, v4, vm0, $0xb8;
	[tilespmem:$0x1F000] =	vst v63  }
0xb1: {  	s9 =	simm.s32 $0x17000  }
0xb2: {  	[tilespmem:s9], [sflag:$0x2] =	stream.indirect_vreg.gather [hbm4b:s6+s3], $0x80, v4, vm0, $0xb8;
	[tilespmem:$0x1F000] =	vst v63  }
0xb3: {  	s10 =	simm.s32 $0x17800  }
0xb4: {  	[tilespmem:s10], [sflag:$0x2] =	stream.indirect_vreg.gather [hbm4b:s1+s3], $0x80, v3, vm0, $0xb8;
	[tilespmem:$0x1F000] =	vst v63  }
0xb5: {  	s11 =	simm.s32 $0x18000  }
0xb6: {  	[tilespmem:s11], [sflag:$0x2] =	stream.indirect_vreg.gather [hbm4b:s5+s3], $0x80, v3, vm0, $0xb8;
	[tilespmem:$0x1F000] =	vst v63  }
0xb7: {  	s12 =	simm.s32 $0x18800  }
0xb8: {  	[tilespmem:s12], [sflag:$0x2] =	stream.indirect_vreg.gather [hbm4b:s6+s3], $0x80, v3, vm0, $0xb8;
	[tilespmem:$0x1F000] =	vst v63  }
0xb9: {  	v3 =	vld [tilespmem:$0xB0];
	_ =	sdelay $0x4  }
0xba: {  	v62 =	vshrl.u32 v3, $0x3  }
0xbb: {  	v4 =	vmul.u32 $0x30, v62  }
0xbc: {  	v3 =	vand.u32 $0x7, v3  }
0xbd: {  	v3 =	vor.u32 v3, v4  }
0xbe: {  	v4 =	vperm.xlane v3, v0;
	_ =	sdelay $0x1  }
0xbf: {  	v4 =	vadd.s32 v1, v4;
	_ =	sdelay $0x3  }
0xc0: {  	s13 =	simm.s32 $0x19000;
	v3 =	vperm.xlane v3, v2  }
0xc1: {  	[tilespmem:s13], [sflag:$0x2] =	stream.indirect_vreg.gather [hbm4b:s1+s3], $0x80, v4, vm0, $0xb8;
	[tilespmem:$0x1F000] =	vst v63  }
0xc2: {  	s14 =	simm.s32 $0x19800;
	v3 =	vadd.s32 v1, v3  }
0xc3: {  	[tilespmem:s14], [sflag:$0x2] =	stream.indirect_vreg.gather [hbm4b:s5+s3], $0x80, v4, vm0, $0xb8;
	[tilespmem:$0x1F000] =	vst v63  }
0xc4: {  	s16 =	simm.s32 $0x1A000  }
0xc5: {  	[tilespmem:s16], [sflag:$0x2] =	stream.indirect_vreg.gather [hbm4b:s6+s3], $0x80, v4, vm0, $0xb8;
	[tilespmem:$0x1F000] =	vst v63  }
0xc6: {  	s17 =	simm.s32 $0x1A800  }
0xc7: {  	[tilespmem:s17], [sflag:$0x2] =	stream.indirect_vreg.gather [hbm4b:s1+s3], $0x80, v3, vm0, $0xb8;
	[tilespmem:$0x1F000] =	vst v63  }
0xc8: {  	s18 =	simm.s32 $0x1B000  }
0xc9: {  	[tilespmem:s18], [sflag:$0x2] =	stream.indirect_vreg.gather [hbm4b:s5+s3], $0x80, v3, vm0, $0xb8;
	[tilespmem:$0x1F000] =	vst v63  }
0xca: {  	s19 =	simm.s32 $0x1B800  }
0xcb: {  	[tilespmem:s19], [sflag:$0x2] =	stream.indirect_vreg.gather [hbm4b:s6+s3], $0x80, v3, vm0, $0xb8;
	[tilespmem:$0x1F000] =	vst v63  }
0xcc: {  	v3 =	vld [tilespmem:$0xC0];
	_ =	sdelay $0x4  }
0xcd: {  	v63 =	vshrl.u32 v3, $0x3  }
0xce: {  	v4 =	vmul.u32 $0x30, v63  }
0xcf: {  	v3 =	vand.u32 $0x7, v3  }
0xd0: {  	v3 =	vor.u32 v3, v4  }
0xd1: {  	v4 =	vperm.xlane v3, v0;
	_ =	sdelay $0x1  }
0xd2: {  	v4 =	vadd.s32 v1, v4;
	_ =	sdelay $0x3  }
0xd3: {  	s31 =	simm.s32 $0xB800;
	s20 =	simm.s32 $0x1C000;
	s21 =	simm.s32 $0x1C800;
	v3 =	vperm.xlane v3, v2  }
0xd4: {  	[tilespmem:s20], [sflag:$0x2] =	stream.indirect_vreg.gather [hbm4b:s1+s3], $0x80, v4, vm0, $0xb8;
	[tilespmem:$0x1F000] =	vst v63  }
0xd5: {  	s25 =	simm.s32 $0x1D000;
	s26 =	rddreg [dreg:$0x6];
	s30 =	simm.s32 $0x1000;
	v3 =	vadd.s32 v1, v3  }
0xd6: {  	[tilespmem:s21], [sflag:$0x2] =	stream.indirect_vreg.gather [hbm4b:s5+s3], $0x80, v4, vm0, $0xb8;
	[tilespmem:$0x1F000] =	vst v63  }
0xd7: {  	s2 =	simm.s32 $0x1D800;
	s4 =	simm.s32 $0x1E000;
	s7 =	simm.s32 $0x1E800  }
0xd8: {  	[tilespmem:s25], [sflag:$0x2] =	stream.indirect_vreg.gather [hbm4b:s6+s3], $0x80, v4, vm0, $0xb8;
	[tilespmem:$0x1F000] =	vst v63  }
0xd9: {  	s8 =	simm.s32 $0x5800;
	s9 =	simm.s32 $0x6000;
	s10 =	simm.s32 $0x6800  }
0xda: {  	[tilespmem:s2], [sflag:$0x2] =	stream.indirect_vreg.gather [hbm4b:s1+s3], $0x80, v3, vm0, $0xb8;
	[tilespmem:$0x1F000] =	vst v63  }
0xdb: {  	s11 =	simm.s32 $0xB000;
	s12 =	simm.s32 $0x7000;
	s13 =	simm.s32 $0x7800  }
0xdc: {  	[tilespmem:s4], [sflag:$0x2] =	stream.indirect_vreg.gather [hbm4b:s5+s3], $0x80, v3, vm0, $0xb8;
	[tilespmem:$0x1F000] =	vst v63  }
0xdd: {  	s14 =	simm.s32 $0x8000;
	s16 =	simm.s32 $0x1000;
	s17 =	simm.s32 $0x8800  }
0xde: {  	[tilespmem:s7], [sflag:$0x2] =	stream.indirect_vreg.gather [hbm4b:s6+s3], $0x80, v3, vm0, $0xb8;
	[tilespmem:$0x1F000] =	vst v63  }
0xdf: {  	s18 =	simm.s32 $0x9000;
	s19 =	simm.s32 $0x9800;
	s20 =	simm.s32 $0xA000  }
0xe0: {  	[hbm4b:s26+s3] =	stream.linear.scatter [tilespmem:s30], [sflag:$0x3], $0xF000, $0x38;
	[tilespmem:$0x1F000] =	vst v63  }
0xe1: {  	s21 =	simm.s32 $0xA800;
	s25 =	simm.s32 $0xFFFC7C00;
	s26 =	simm.s32 $0x1C0  }
.LBB2_2:
0xe2: {  	_ =	swait.ge [sflag:s22], $0xF000  }
0xe3: {  	[sflag:s22] =	ssyncset.done $0x0  }
0xe4: {  	[sflag:s22] =	ssyncadd.s32 $0xFFFF1000  }
0xe5: {  	_ =	swait.ge [sflag:s23], $0xF000  }
0xe6: {  	[sflag:s23] =	ssyncset.done $0x0  }
0xe7: {  	[sflag:s23] =	ssyncadd.s32 $0xFFFF1000  }
0xe8: {  	v3 =	vld [tilespmem:s26+$0xFFFFFF40];
	_ =	sdelay $0x4  }
0xe9: {  	v4 =	vshrl.u32 v3, $0x3  }
0xea: {  	v4 =	vmul.u32 $0x30, v4  }
0xeb: {  	v3 =	vand.u32 $0x7, v3  }
0xec: {  	v3 =	vor.u32 v3, v4  }
0xed: {  	v4 =	vperm.xlane v3, v0;
	_ =	sdelay $0x1  }
0xee: {  	v4 =	vadd.s32 v1, v4;
	_ =	sdelay $0x3  }
0xef: {  	v3 =	vperm.xlane v3, v2  }
0xf0: {  	[tilespmem:s16], [sflag:$0x1] =	stream.indirect_vreg.gather [hbm4b:s1+s3], $0x80, v4, vm0, $0xb8;
	[tilespmem:$0x1F000] =	vst v63  }
0xf1: {  	v3 =	vadd.s32 v1, v3  }
0xf2: {  	[tilespmem:s28], [sflag:$0x1] =	stream.indirect_vreg.gather [hbm4b:s5+s3], $0x80, v4, vm0, $0xb8;
	[tilespmem:$0x1F000] =	vst v63  }
0xf3: {  	_ = 	snop  }
0xf4: {  	[tilespmem:s29], [sflag:$0x1] =	stream.indirect_vreg.gather [hbm4b:s6+s3], $0x80, v4, vm0, $0xb8;
	[tilespmem:$0x1F000] =	vst v63  }
0xf5: {  	s0 =	simm.s32 $0x2800  }
0xf6: {  	[tilespmem:s0], [sflag:$0x1] =	stream.indirect_vreg.gather [hbm4b:s1+s3], $0x80, v3, vm0, $0xb8;
	[tilespmem:$0x1F000] =	vst v63  }
0xf7: {  	s30 =	simm.s32 $0x3000  }
0xf8: {  	[tilespmem:s30], [sflag:$0x1] =	stream.indirect_vreg.gather [hbm4b:s5+s3], $0x80, v3, vm0, $0xb8;
	[tilespmem:$0x1F000] =	vst v63  }
0xf9: {  	s30 =	simm.s32 $0x3800  }
0xfa: {  	[tilespmem:s30], [sflag:$0x1] =	stream.indirect_vreg.gather [hbm4b:s6+s3], $0x80, v3, vm0, $0xb8;
	[tilespmem:$0x1F000] =	vst v63  }
0xfb: {  	v3 =	vld [tilespmem:s26+$0xFFFFFF50];
	_ =	sdelay $0x4  }
0xfc: {  	v55 =	vshrl.u32 v3, $0x3  }
0xfd: {  	v4 =	vmul.u32 $0x30, v55  }
0xfe: {  	v3 =	vand.u32 $0x7, v3  }
0xff: {  	v3 =	vor.u32 v3, v4  }
0x100: {  	v4 =	vperm.xlane v3, v0;
	_ =	sdelay $0x1  }
0x101: {  	v4 =	vadd.s32 v1, v4;
	_ =	sdelay $0x3  }
0x102: {  	s30 =	simm.s32 $0x4000;
	v3 =	vperm.xlane v3, v2  }
0x103: {  	[tilespmem:s30], [sflag:$0x1] =	stream.indirect_vreg.gather [hbm4b:s1+s3], $0x80, v4, vm0, $0xb8;
	[tilespmem:$0x1F000] =	vst v63  }
0x104: {  	v3 =	vadd.s32 v1, v3;
	s30 =	simm.s32 $0x4800  }
0x105: {  	[tilespmem:s30], [sflag:$0x1] =	stream.indirect_vreg.gather [hbm4b:s5+s3], $0x80, v4, vm0, $0xb8;
	[tilespmem:$0x1F000] =	vst v63  }
0x106: {  	s30 =	simm.s32 $0x5000  }
0x107: {  	[tilespmem:s30], [sflag:$0x1] =	stream.indirect_vreg.gather [hbm4b:s6+s3], $0x80, v4, vm0, $0xb8;
	[tilespmem:$0x1F000] =	vst v63  }
0x108: {  	_ = 	snop  }
0x109: {  	[tilespmem:s8], [sflag:$0x1] =	stream.indirect_vreg.gather [hbm4b:s1+s3], $0x80, v3, vm0, $0xb8;
	[tilespmem:$0x1F000] =	vst v63  }
0x10a: {  	_ = 	snop  }
0x10b: {  	[tilespmem:s9], [sflag:$0x1] =	stream.indirect_vreg.gather [hbm4b:s5+s3], $0x80, v3, vm0, $0xb8;
	[tilespmem:$0x1F000] =	vst v63  }
0x10c: {  	_ = 	snop  }
0x10d: {  	[tilespmem:s10], [sflag:$0x1] =	stream.indirect_vreg.gather [hbm4b:s6+s3], $0x80, v3, vm0, $0xb8;
	[tilespmem:$0x1F000] =	vst v63  }
0x10e: {  	v3 =	vld [tilespmem:s26+$0xFFFFFF60];
	_ =	sdelay $0x4  }
0x10f: {  	v56 =	vshrl.u32 v3, $0x3  }
0x110: {  	v4 =	vmul.u32 $0x30, v56  }
0x111: {  	v3 =	vand.u32 $0x7, v3  }
0x112: {  	v3 =	vor.u32 v3, v4  }
0x113: {  	v4 =	vperm.xlane v3, v0;
	_ =	sdelay $0x1  }
0x114: {  	v4 =	vadd.s32 v1, v4;
	_ =	sdelay $0x3  }
0x115: {  	v3 =	vperm.xlane v3, v2  }
0x116: {  	[tilespmem:s12], [sflag:$0x1] =	stream.indirect_vreg.gather [hbm4b:s1+s3], $0x80, v4, vm0, $0xb8;
	[tilespmem:$0x1F000] =	vst v63  }
0x117: {  	v3 =	vadd.s32 v1, v3  }
0x118: {  	[tilespmem:s13], [sflag:$0x1] =	stream.indirect_vreg.gather [hbm4b:s5+s3], $0x80, v4, vm0, $0xb8;
	[tilespmem:$0x1F000] =	vst v63  }
0x119: {  	_ = 	snop  }
0x11a: {  	[tilespmem:s14], [sflag:$0x1] =	stream.indirect_vreg.gather [hbm4b:s6+s3], $0x80, v4, vm0, $0xb8;
	[tilespmem:$0x1F000] =	vst v63  }
0x11b: {  	_ = 	snop  }
0x11c: {  	[tilespmem:s17], [sflag:$0x1] =	stream.indirect_vreg.gather [hbm4b:s1+s3], $0x80, v3, vm0, $0xb8;
	[tilespmem:$0x1F000] =	vst v63  }
0x11d: {  	_ = 	snop  }
0x11e: {  	[tilespmem:s18], [sflag:$0x1] =	stream.indirect_vreg.gather [hbm4b:s5+s3], $0x80, v3, vm0, $0xb8;
	[tilespmem:$0x1F000] =	vst v63  }
0x11f: {  	_ = 	snop  }
0x120: {  	[tilespmem:s19], [sflag:$0x1] =	stream.indirect_vreg.gather [hbm4b:s6+s3], $0x80, v3, vm0, $0xb8;
	[tilespmem:$0x1F000] =	vst v63  }
0x121: {  	v3 =	vld [tilespmem:s26+$0xFFFFFF70];
	_ =	sdelay $0x4  }
0x122: {  	v57 =	vshrl.u32 v3, $0x3  }
0x123: {  	v4 =	vmul.u32 $0x30, v57  }
0x124: {  	v3 =	vand.u32 $0x7, v3  }
0x125: {  	v3 =	vor.u32 v3, v4  }
0x126: {  	v4 =	vperm.xlane v3, v0;
	_ =	sdelay $0x1  }
0x127: {  	v4 =	vadd.s32 v1, v4;
	_ =	sdelay $0x3  }
0x128: {  	v3 =	vperm.xlane v3, v2  }
0x129: {  	[tilespmem:s20], [sflag:$0x1] =	stream.indirect_vreg.gather [hbm4b:s1+s3], $0x80, v4, vm0, $0xb8;
	[tilespmem:$0x1F000] =	vst v63  }
0x12a: {  	v3 =	vadd.s32 v1, v3  }
0x12b: {  	[tilespmem:s21], [sflag:$0x1] =	stream.indirect_vreg.gather [hbm4b:s5+s3], $0x80, v4, vm0, $0xb8;
	[tilespmem:$0x1F000] =	vst v63  }
0x12c: {  	_ = 	snop  }
0x12d: {  	[tilespmem:s11], [sflag:$0x1] =	stream.indirect_vreg.gather [hbm4b:s6+s3], $0x80, v4, vm0, $0xb8;
	[tilespmem:$0x1F000] =	vst v63  }
0x12e: {  	_ = 	snop  }
0x12f: {  	[tilespmem:s31], [sflag:$0x1] =	stream.indirect_vreg.gather [hbm4b:s1+s3], $0x80, v3, vm0, $0xb8;
	[tilespmem:$0x1F000] =	vst v63  }
0x130: {  	s30 =	simm.s32 $0xC000  }
0x131: {  	[tilespmem:s30], [sflag:$0x1] =	stream.indirect_vreg.gather [hbm4b:s5+s3], $0x80, v3, vm0, $0xb8;
	[tilespmem:$0x1F000] =	vst v63  }
0x132: {  	s30 =	simm.s32 $0xC800  }
0x133: {  	[tilespmem:s30], [sflag:$0x1] =	stream.indirect_vreg.gather [hbm4b:s6+s3], $0x80, v3, vm0, $0xb8;
	[tilespmem:$0x1F000] =	vst v63  }
0x134: {  	v3 =	vld [tilespmem:s26+$0xFFFFFF80];
	_ =	sdelay $0x4  }
0x135: {  	v58 =	vshrl.u32 v3, $0x3  }
0x136: {  	v4 =	vmul.u32 $0x30, v58  }
0x137: {  	v3 =	vand.u32 $0x7, v3  }
0x138: {  	v3 =	vor.u32 v3, v4  }
0x139: {  	v4 =	vperm.xlane v3, v0;
	_ =	sdelay $0x1  }
0x13a: {  	v4 =	vadd.s32 v1, v4;
	_ =	sdelay $0x3  }
0x13b: {  	s30 =	simm.s32 $0xD000;
	v3 =	vperm.xlane v3, v2  }
0x13c: {  	[tilespmem:s30], [sflag:$0x1] =	stream.indirect_vreg.gather [hbm4b:s1+s3], $0x80, v4, vm0, $0xb8;
	[tilespmem:$0x1F000] =	vst v63  }
0x13d: {  	v3 =	vadd.s32 v1, v3;
	s30 =	simm.s32 $0xD800  }
0x13e: {  	[tilespmem:s30], [sflag:$0x1] =	stream.indirect_vreg.gather [hbm4b:s5+s3], $0x80, v4, vm0, $0xb8;
	[tilespmem:$0x1F000] =	vst v63  }
0x13f: {  	s30 =	simm.s32 $0xE000  }
0x140: {  	[tilespmem:s30], [sflag:$0x1] =	stream.indirect_vreg.gather [hbm4b:s6+s3], $0x80, v4, vm0, $0xb8;
	[tilespmem:$0x1F000] =	vst v63  }
0x141: {  	s30 =	simm.s32 $0xE800  }
0x142: {  	[tilespmem:s30], [sflag:$0x1] =	stream.indirect_vreg.gather [hbm4b:s1+s3], $0x80, v3, vm0, $0xb8;
	[tilespmem:$0x1F000] =	vst v63  }
0x143: {  	s28 =	rddreg [dreg:$0x4];
	s30 =	simm.s32 $0xF000  }
0x144: {  	[tilespmem:s30], [sflag:$0x1] =	stream.indirect_vreg.gather [hbm4b:s5+s3], $0x80, v3, vm0, $0xb8;
	[tilespmem:$0x1F000] =	vst v63  }
0x145: {  	s28 =	sadd.s32 s25, s28;
	s30 =	simm.s32 $0xF800  }
0x146: {  	[tilespmem:s30], [sflag:$0x1] =	stream.indirect_vreg.gather [hbm4b:s6+s3], $0x80, v3, vm0, $0xb8;
	[tilespmem:$0x1F000] =	vst v63  }
0x147: {  	s29 =	sadd.s32 $0x3A200, s28;
	s30 =	simm.s32 $0x10000  }
0x148: {  	[hbm4b:s29+s3] =	stream.linear.scatter [tilespmem:s30], [sflag:$0x4], $0xF000, $0x38;
	[tilespmem:$0x1F000] =	vst v63  }
0x149: {  	_ =	swait.ge [sflag:s15], $0xF000  }
0x14a: {  	[sflag:s15] =	ssyncset.done $0x0  }
0x14b: {  	[sflag:s15] =	ssyncadd.s32 $0xFFFF1000  }
0x14c: {  	_ =	swait.ge [sflag:s24], $0xF000  }
0x14d: {  	[sflag:s24] =	ssyncset.done $0x0  }
0x14e: {  	[sflag:s24] =	ssyncadd.s32 $0xFFFF1000  }
0x14f: {  	v3 =	vld [tilespmem:s26+$0xFFFFFFC0];
	_ =	sdelay $0x4  }
0x150: {  	v59 =	vshrl.u32 v3, $0x3  }
0x151: {  	v4 =	vmul.u32 $0x30, v59  }
0x152: {  	v3 =	vand.u32 $0x7, v3  }
0x153: {  	v3 =	vor.u32 v3, v4  }
0x154: {  	v4 =	vperm.xlane v3, v0;
	_ =	sdelay $0x1  }
0x155: {  	v4 =	vadd.s32 v1, v4;
	_ =	sdelay $0x3  }
0x156: {  	v3 =	vperm.xlane v3, v2  }
0x157: {  	[tilespmem:s30], [sflag:$0x2] =	stream.indirect_vreg.gather [hbm4b:s1+s3], $0x80, v4, vm0, $0xb8;
	[tilespmem:$0x1F000] =	vst v63  }
0x158: {  	v3 =	vadd.s32 v1, v3;
	s30 =	simm.s32 $0x10800  }
0x159: {  	[tilespmem:s30], [sflag:$0x2] =	stream.indirect_vreg.gather [hbm4b:s5+s3], $0x80, v4, vm0, $0xb8;
	[tilespmem:$0x1F000] =	vst v63  }
0x15a: {  	s30 =	simm.s32 $0x11000  }
0x15b: {  	[tilespmem:s30], [sflag:$0x2] =	stream.indirect_vreg.gather [hbm4b:s6+s3], $0x80, v4, vm0, $0xb8;
	[tilespmem:$0x1F000] =	vst v63  }
0x15c: {  	s30 =	simm.s32 $0x11800  }
0x15d: {  	[tilespmem:s30], [sflag:$0x2] =	stream.indirect_vreg.gather [hbm4b:s1+s3], $0x80, v3, vm0, $0xb8;
	[tilespmem:$0x1F000] =	vst v63  }
0x15e: {  	s30 =	simm.s32 $0x12000  }
0x15f: {  	[tilespmem:s30], [sflag:$0x2] =	stream.indirect_vreg.gather [hbm4b:s5+s3], $0x80, v3, vm0, $0xb8;
	[tilespmem:$0x1F000] =	vst v63  }
0x160: {  	s30 =	simm.s32 $0x12800  }
0x161: {  	[tilespmem:s30], [sflag:$0x2] =	stream.indirect_vreg.gather [hbm4b:s6+s3], $0x80, v3, vm0, $0xb8;
	[tilespmem:$0x1F000] =	vst v63  }
0x162: {  	v3 =	vld [tilespmem:s26+$0xFFFFFFD0];
	_ =	sdelay $0x4  }
0x163: {  	v60 =	vshrl.u32 v3, $0x3  }
0x164: {  	v4 =	vmul.u32 $0x30, v60  }
0x165: {  	v3 =	vand.u32 $0x7, v3  }
0x166: {  	v3 =	vor.u32 v3, v4  }
0x167: {  	v4 =	vperm.xlane v3, v0;
	_ =	sdelay $0x1  }
0x168: {  	v4 =	vadd.s32 v1, v4;
	_ =	sdelay $0x3  }
0x169: {  	s30 =	simm.s32 $0x13000;
	v3 =	vperm.xlane v3, v2  }
0x16a: {  	[tilespmem:s30], [sflag:$0x2] =	stream.indirect_vreg.gather [hbm4b:s1+s3], $0x80, v4, vm0, $0xb8;
	[tilespmem:$0x1F000] =	vst v63  }
0x16b: {  	v3 =	vadd.s32 v1, v3;
	s30 =	simm.s32 $0x13800  }
0x16c: {  	[tilespmem:s30], [sflag:$0x2] =	stream.indirect_vreg.gather [hbm4b:s5+s3], $0x80, v4, vm0, $0xb8;
	[tilespmem:$0x1F000] =	vst v63  }
0x16d: {  	s30 =	simm.s32 $0x14000  }
0x16e: {  	[tilespmem:s30], [sflag:$0x2] =	stream.indirect_vreg.gather [hbm4b:s6+s3], $0x80, v4, vm0, $0xb8;
	[tilespmem:$0x1F000] =	vst v63  }
0x16f: {  	s30 =	simm.s32 $0x14800  }
0x170: {  	[tilespmem:s30], [sflag:$0x2] =	stream.indirect_vreg.gather [hbm4b:s1+s3], $0x80, v3, vm0, $0xb8;
	[tilespmem:$0x1F000] =	vst v63  }
0x171: {  	s30 =	simm.s32 $0x15000  }
0x172: {  	[tilespmem:s30], [sflag:$0x2] =	stream.indirect_vreg.gather [hbm4b:s5+s3], $0x80, v3, vm0, $0xb8;
	[tilespmem:$0x1F000] =	vst v63  }
0x173: {  	s30 =	simm.s32 $0x15800  }
0x174: {  	[tilespmem:s30], [sflag:$0x2] =	stream.indirect_vreg.gather [hbm4b:s6+s3], $0x80, v3, vm0, $0xb8;
	[tilespmem:$0x1F000] =	vst v63  }
0x175: {  	v3 =	vld [tilespmem:s26+$0xFFFFFFE0];
	_ =	sdelay $0x4  }
0x176: {  	v61 =	vshrl.u32 v3, $0x3  }
0x177: {  	v4 =	vmul.u32 $0x30, v61  }
0x178: {  	v3 =	vand.u32 $0x7, v3  }
0x179: {  	v3 =	vor.u32 v3, v4  }
0x17a: {  	v4 =	vperm.xlane v3, v0;
	_ =	sdelay $0x1  }
0x17b: {  	v4 =	vadd.s32 v1, v4;
	_ =	sdelay $0x3  }
0x17c: {  	s30 =	simm.s32 $0x16000;
	v3 =	vperm.xlane v3, v2  }
0x17d: {  	[tilespmem:s30], [sflag:$0x2] =	stream.indirect_vreg.gather [hbm4b:s1+s3], $0x80, v4, vm0, $0xb8;
	[tilespmem:$0x1F000] =	vst v63  }
0x17e: {  	v3 =	vadd.s32 v1, v3;
	s30 =	simm.s32 $0x16800  }
0x17f: {  	[tilespmem:s30], [sflag:$0x2] =	stream.indirect_vreg.gather [hbm4b:s5+s3], $0x80, v4, vm0, $0xb8;
	[tilespmem:$0x1F000] =	vst v63  }
0x180: {  	s30 =	simm.s32 $0x17000  }
0x181: {  	[tilespmem:s30], [sflag:$0x2] =	stream.indirect_vreg.gather [hbm4b:s6+s3], $0x80, v4, vm0, $0xb8;
	[tilespmem:$0x1F000] =	vst v63  }
0x182: {  	s30 =	simm.s32 $0x17800  }
0x183: {  	[tilespmem:s30], [sflag:$0x2] =	stream.indirect_vreg.gather [hbm4b:s1+s3], $0x80, v3, vm0, $0xb8;
	[tilespmem:$0x1F000] =	vst v63  }
0x184: {  	s30 =	simm.s32 $0x18000  }
0x185: {  	[tilespmem:s30], [sflag:$0x2] =	stream.indirect_vreg.gather [hbm4b:s5+s3], $0x80, v3, vm0, $0xb8;
	[tilespmem:$0x1F000] =	vst v63  }
0x186: {  	s30 =	simm.s32 $0x18800  }
0x187: {  	[tilespmem:s30], [sflag:$0x2] =	stream.indirect_vreg.gather [hbm4b:s6+s3], $0x80, v3, vm0, $0xb8;
	[tilespmem:$0x1F000] =	vst v63  }
0x188: {  	v3 =	vld [tilespmem:s26+$0xFFFFFFF0];
	_ =	sdelay $0x4  }
0x189: {  	v62 =	vshrl.u32 v3, $0x3  }
0x18a: {  	v4 =	vmul.u32 $0x30, v62  }
0x18b: {  	v3 =	vand.u32 $0x7, v3  }
0x18c: {  	v3 =	vor.u32 v3, v4  }
0x18d: {  	v4 =	vperm.xlane v3, v0;
	_ =	sdelay $0x1  }
0x18e: {  	v4 =	vadd.s32 v1, v4;
	_ =	sdelay $0x3  }
0x18f: {  	s30 =	simm.s32 $0x19000;
	v3 =	vperm.xlane v3, v2  }
0x190: {  	[tilespmem:s30], [sflag:$0x2] =	stream.indirect_vreg.gather [hbm4b:s1+s3], $0x80, v4, vm0, $0xb8;
	[tilespmem:$0x1F000] =	vst v63  }
0x191: {  	v3 =	vadd.s32 v1, v3;
	s30 =	simm.s32 $0x19800  }
0x192: {  	[tilespmem:s30], [sflag:$0x2] =	stream.indirect_vreg.gather [hbm4b:s5+s3], $0x80, v4, vm0, $0xb8;
	[tilespmem:$0x1F000] =	vst v63  }
0x193: {  	s30 =	simm.s32 $0x1A000  }
0x194: {  	[tilespmem:s30], [sflag:$0x2] =	stream.indirect_vreg.gather [hbm4b:s6+s3], $0x80, v4, vm0, $0xb8;
	[tilespmem:$0x1F000] =	vst v63  }
0x195: {  	s30 =	simm.s32 $0x1A800  }
0x196: {  	[tilespmem:s30], [sflag:$0x2] =	stream.indirect_vreg.gather [hbm4b:s1+s3], $0x80, v3, vm0, $0xb8;
	[tilespmem:$0x1F000] =	vst v63  }
0x197: {  	s30 =	simm.s32 $0x1B000  }
0x198: {  	[tilespmem:s30], [sflag:$0x2] =	stream.indirect_vreg.gather [hbm4b:s5+s3], $0x80, v3, vm0, $0xb8;
	[tilespmem:$0x1F000] =	vst v63  }
0x199: {  	s30 =	simm.s32 $0x1B800  }
0x19a: {  	[tilespmem:s30], [sflag:$0x2] =	stream.indirect_vreg.gather [hbm4b:s6+s3], $0x80, v3, vm0, $0xb8;
	[tilespmem:$0x1F000] =	vst v63  }
0x19b: {  	v3 =	vld [tilespmem:s26+$0x0];
	_ =	sdelay $0x4  }
0x19c: {  	v63 =	vshrl.u32 v3, $0x3  }
0x19d: {  	v4 =	vmul.u32 $0x30, v63  }
0x19e: {  	v3 =	vand.u32 $0x7, v3  }
0x19f: {  	v3 =	vor.u32 v3, v4  }
0x1a0: {  	v4 =	vperm.xlane v3, v0;
	_ =	sdelay $0x1  }
0x1a1: {  	v4 =	vadd.s32 v1, v4;
	_ =	sdelay $0x3  }
0x1a2: {  	s30 =	simm.s32 $0x1C000;
	v3 =	vperm.xlane v3, v2  }
0x1a3: {  	[tilespmem:s30], [sflag:$0x2] =	stream.indirect_vreg.gather [hbm4b:s1+s3], $0x80, v4, vm0, $0xb8;
	[tilespmem:$0x1F000] =	vst v63  }
0x1a4: {  	v3 =	vadd.s32 v1, v3;
	s30 =	simm.s32 $0x1C800  }
0x1a5: {  	[tilespmem:s30], [sflag:$0x2] =	stream.indirect_vreg.gather [hbm4b:s5+s3], $0x80, v4, vm0, $0xb8;
	[tilespmem:$0x1F000] =	vst v63  }
0x1a6: {  	s30 =	simm.s32 $0x1D000  }
0x1a7: {  	[tilespmem:s30], [sflag:$0x2] =	stream.indirect_vreg.gather [hbm4b:s6+s3], $0x80, v4, vm0, $0xb8;
	[tilespmem:$0x1F000] =	vst v63  }
0x1a8: {  	_ = 	snop  }
0x1a9: {  	[tilespmem:s2], [sflag:$0x2] =	stream.indirect_vreg.gather [hbm4b:s1+s3], $0x80, v3, vm0, $0xb8;
	[tilespmem:$0x1F000] =	vst v63  }
0x1aa: {  	p0 =	sne.s32 s25, $0xFFFFC400  }
0x1ab: {  	[tilespmem:s4], [sflag:$0x2] =	stream.indirect_vreg.gather [hbm4b:s5+s3], $0x80, v3, vm0, $0xb8;
	[tilespmem:$0x1F000] =	vst v63  }
.Ltmp0:
0x1ac: {  	_ = 	snop;
	(pc) =	sbr.rel @p0 .LBB2_2-.Ltmp0, $4  }
0x1ad: {  	[tilespmem:s7], [sflag:$0x2] =	stream.indirect_vreg.gather [hbm4b:s6+s3], $0x80, v3, vm0, $0xb8;
	[tilespmem:$0x1F000] =	vst v63  }
0x1ae: {  	s25 =	sadd.s32 $0x3C00, s25;
	s28 =	sadd.s32 $0x3C000, s28;
	s0 =	simm.s32 $0x10000  }
0x1af: {  	[hbm4b:s28+s3] =	stream.linear.scatter [tilespmem:s16], [sflag:$0x3], $0xF000, $0x38;
	[tilespmem:$0x1F000] =	vst v63  }
0x1b0: {  	s29 =	simm.s32 $0x2000;
	s26 =	sadd.s32 $0x100, s26;
	s28 =	simm.s32 $0x1800  }
0x1b1: {  	_ =	swait.ge [sflag:s22], $0xF000  }
0x1b2: {  	[sflag:s22] =	ssyncset.done $0x0  }
0x1b3: {  	[sflag:s22] =	ssyncadd.s32 $0xFFFF1000  }
0x1b4: {  	_ =	swait.ge [sflag:s23], $0xF000  }
0x1b5: {  	[sflag:s23] =	ssyncset.done $0x0  }
0x1b6: {  	s30 =	simm.s32 $0x3000;
	s25 =	rddreg [dreg:$0x7];
	[sflag:s23] =	ssyncadd.s32 $0xFFFF1000  }
0x1b7: {  	[hbm4b:s25+s3] =	stream.linear.scatter [tilespmem:s0], [sflag:$0x4], $0xF000, $0x38;
	[tilespmem:$0x1F000] =	vst v63  }
0x1b8: {  	s31 =	simm.s32 $0x3800;
	s4 =	simm.s32 $0x4800;
	_ =	swait.ge [sflag:s24], $0xF000  }
0x1b9: {  	s7 =	simm.s32 $0x5000;
	s8 =	simm.s32 $0x5800;
	s2 =	rddreg [dreg:$0x9]  }
0x1ba: {  	s9 =	simm.s32 $0x6000;
	s26 =	rddreg [dreg:$0x8];
	s2 =	sadd.s32 $0x1, s2  }
0x1bb: {  	s10 =	simm.s32 $0x6800;
	s12 =	simm.s32 $0x7000;
	p0 =	sne.s32 s2, s26  }
.Ltmp1:
0x1bc: {  	s13 =	simm.s32 $0x7800;
	s14 =	simm.s32 $0x8000;
	(pc) =	sbr.rel @p0 .LBB2_1-.Ltmp1, $4  }
0x1bd: {  	s17 =	simm.s32 $0x8800;
	s18 =	simm.s32 $0x9000;
	s19 =	simm.s32 $0x9800  }
0x1be: {  	s20 =	simm.s32 $0xA000;
	s21 =	simm.s32 $0xA800;
	[sflag:s24] =	ssyncset.done $0x0  }
0x1bf: {  	s11 =	simm.s32 $0xB000;
	s16 =	simm.s32 $0xB800;
	[sflag:s24] =	ssyncadd.s32 $0xFFFF1000  }
0x1c0: {  	[dreg:$0x9] =	wrdreg s2;
	s26 =	simm.s32 $0x2800;
	s2 =	simm.s32 $0x4000  }
0x1c1: {  	_ =	sfence.sel $0x180000  }
0x1c2: {  	[bflag:$0x0] =	sbarrier.arrive $0xFFFF  }
0x1c3: {  	_ =	strace $0x90000047  }
0x1c4: {  	s0 =	stileid.u32;
	[bflag:$0x2] =	sbarrier.arrive $0xFFFF  }
0x1c5: {  	p0 =	sne.s32 s0, $0x0;
	s0 =	rddreg [dreg:$0x3]  }
0x1c6: {  	s0 =	sadd.s32 @!p0 $0x100000, s0  }
0x1c7: {  	[sflag:s0] =	ssyncadd.tile.s32 @!p0 $0x1;
	_ =	shalt  }
.Lfunc_end2:
_tile_overlayer_lowered:
.L_overlay_start_2:
0x1c8: {  	(tag) =	ssettag $0x2  }
0x1c9: {  	s0 =	rddreg [dreg:$0x0];
	s2 =	stileid.u32  }
0x1ca: {  	s1 =	rddreg [dreg:$0x1];
	p0 =	sne.s32 s2, $0x0  }
0x1cb: {  	s3 =	rddreg [dreg:$0x2];
	[bflag:$0x3] =	sbarrier.arrive $0xFFFF;
	s2 =	simm.s32 @!p0 $0x1C05  }
0x1cc: {  	[timem:s3], [sflag:s2] =	dma.local @!p0 [hbm:s0], s1  }
0x1cd: {  	s0 =	simm.s32 @!p0 $0x5  }
0x1ce: {  	_ =	swait.ge @!p0 [sflag:s0], s1  }
0x1cf: {  	s1 =	ssub.s32 @!p0 $0x0, s1;
	[sflag:s0] =	ssyncset.done @!p0 $0x0  }
0x1d0: {  	[sflag:s0] =	ssyncadd.s32 @!p0 s1  }
0x1d1: {  	[bflag:$0x3] =	sbarrier.arrive $0xFFFF  }
0x1d2: {  	_ =	shalt  }

// kernel: sparse-core-data-format-call.cloned.1.call-start
scs
called_computation_lowered:
.L_overlay_start_0:
0x0: {  	s2 =	sld [smem:$0x3FD9]  }
0x1: {  	s3 =	sld [smem:$0x3FFE];
	_ =	sdelay $0x1  }
0x2: {  	s1 =	srdreg.scid  }
0x3: {  	s0 =	sand.u32 $0x1, s1  }
0x4: {  	s18 =	sshll.u32 s0, $0xA;
	s2 =	sadd.s32 s3, s2  }
0x5: {  	s2 =	sadd.s32 s2, s18  }
0x6: {  	[smem:$0x3FC6] =	sst s2  }
0x7: {  	_ = 	snop  }
0x8: {  	s2 =	sld [smem:$0x3FD0];
	(tm) =	ssettm $0x1  }
0x9: {  	s19 =	sld [smem:$0x3FFB];
	_ =	sdelay $0x3  }
0xa: {  	_ =	strace s19  }
0xb: {  	s3 =	sld [smem:$0x3FFC];
	_ =	sdelay $0x3  }
0xc: {  	_ =	strace s3  }
0xd: {  	s3 =	sld [smem:$0x3FFD];
	_ =	sdelay $0x3  }
0xe: {  	_ =	strace s3  }
0xf: {  	_ =	strace $0x8FFFFFFF  }
0x10: {  	s20 =	sld [smem:$0x3FDB];
	_ =	sdelay $0x1  }
0x11: {  	s4 =	simm.s32 $_scs_section_size  }
0x12: {  	s5 =	simm.s32 $_size__tile_overlayer_lowered;
	s6 =	simm.s32 $_tile_overlayer_lowered  }
0x13: {  	s23 =	simm.s32 $0x1BFF;
	s22 =	sshll.u32 s6, $0x1;
	s3 =	sadd.s32 s4, s20  }
0x14: {  	s7 =	simm.s32 $0x0;
	s21 =	sshll.u32 s5, $0x1;
	s5 =	sadd.s32 s22, s3  }
0x15: {  	[timem:s7], [sflag:s23] =	dma.local [hbm:s5], s21  }
0x16: {  	_ =	swait.ge [sflag:s23], s21  }
0x17: {  	s4 =	ssub.s32 $0x0, s21;
	[sflag:s23] =	ssyncset.done $0x0  }
0x18: {  	[sflag:s23] =	ssyncadd.s32 s4;
	_ =	sdelay $0x1  }
0x19: {  	s24 =	simm.s32 $0x1B8B  }
0x1a: {  	_ =	swait.ge [sflag:s24], $0x1  }
0x1b: {  	[sflag:s24] =	ssyncset.done $0x0  }
0x1c: {  	s26 =	simm.s32 $0x1B8E;
	s25 =	sld [smem:$0x3FFE];
	[sflag:s24] =	ssyncadd.s32 $0xFFFFFFFF  }
0x1d: {  	s27 =	simm.s32 $execute0_lowered;
	[smem:$0x3FD2] =	sst s26  }
0x1e: {  	s5 =	sshll.u32 s27, $0x1;
	_ =	strace $0x80000049;
	[dreg:$0x1] =	wrdreg $0xFFFFFFFF  }
0x1f: {  	s28 =	simm.s32 $_size_execute0_lowered;
	s3 =	sadd.s32 s3, s5;
	[dreg:$0x0] =	wrdreg $0x0  }
0x20: {  	s5 =	sshll.u32 s28, $0x1;
	[dreg:$0x2] =	wrdreg s3  }
0x21: {  	[dreg:$0x3] =	wrdreg s5  }
0x22: {  	[dreg:$0x4] =	wrdreg $0xC0  }
0x23: {  	_ =	task [dreg:s7], $0x5FFFF  }
0x24: {  	[dreg:$0x1] =	wrdreg $0xFFFFFFFF  }
0x25: {  	[dreg:$0x0] =	wrdreg $0x60  }
0x26: {  	[dreg:$0x2] =	wrdreg s25  }
0x27: {  	[dreg:$0x3] =	wrdreg s2  }
0x28: {  	[dreg:$0x4] =	wrdreg $0x9  }
0x29: {  	_ =	task.clear_ibuf [dreg:s7], $0x5FFFF;
	_ =	strace $0x90000049  }
0x2a: {  	s29 =	simm.s32 $0x9;
	_ =	strace $0x8000004B  }
0x2b: {  	_ =	swait.ge [sflag:s29], $0x1  }
0x2c: {  	[sflag:s29] =	ssyncadd.s32 $0xFFFFFFFF  }
0x2d: {  	_ =	strace $0x9000004B  }
0x2e: {  	_ =	sfence  }
0x2f: {  	s30 =	sld [smem:$0x0];
	_ =	sdelay $0x2  }
0x30: {  	s31 =	sshll.u32 s1, $0xD;
	s1 =	sshrl.u32 s1, $0x2  }
0x31: {  	s3 =	sand.u32 $0x4000, s31;
	s1 =	sadd.s32 s1, s30  }
0x32: {  	s0 =	sor.u32 s3, s0;
	s1 =	sshll.u32 s1, $0x11  }
0x33: {  	s0 =	sor.u32 s1, s0  }
0x34: {  	s0 =	sadd.s32 $0x8F2B, s0  }
0x35: {  	[sflag:s0] =	ssyncadd.remote.s32 $0x1  }
0x36: {  	_ =	sfence.sel $0xFFFF  }
0x37: {  	[dreg:$0x0] =	wrdreg $0xFFFFFFFF;
	(pc) =	sbr.abs _section_cstart, $3  }
0x38: {  	[dreg:$0x1] =	wrdreg $0xFFFFFFFF  }
0x39: {  	_ =	task.clear_ibuf [dreg:s7], $0x2FFFF;
	_ =	strace $0x9FFFFFFF  }
0x3a: {  	(tm) =	ssettm $0x7FFFFFFF  }
0x3b: {  	_ =	shalt  }
tec
execute0_lowered:
.L_overlay_start_1:
0x0: {  	(tag) =	ssettag $0x1  }
0x1: {  	s0 =	stileid.u32  }
0x2: {  	s1 =	srdreg.scid;
	s2 =	sshll.u32 s0, $0x7  }
0x3: {  	s7 =	rddreg [dreg:$0x0];
	s3 =	sshll.u32 s1, $0x4;
	s1 =	sand.u32 $0x380, s2  }
0x4: {  	s8 =	simm.s32 $0x2;
	s30 =	sand.u32 $0x10, s3;
	s31 =	ssub.s32 $0x400, s1  }
0x5: {  	s16 =	simm.s32 $0x0;
	s2 =	sor.u32 s0, s30;
	s4 =	sand.u32 $0x380, s31  }
0x6: {  	s2 =	sshrl.u32 s2, $0x3;
	p0 =	sne.s32 s4, $0x0;
	s4 =	simm.s32 $0x1  }
0x7: {  	s3 =	sshrl.u32 s31, $0xA;
	s5 =	ssub.s32 $0x50, s2;
	s4 =	simm.s32 @!p0 $0x0  }
0x8: {  	s9 =	simm.s32 $0x1800;
	s5 =	sshrl.u32 s5, $0x2;
	s3 =	sadd.s32 s4, s3  }
0x9: {  	s10 =	simm.s32 $0x0;
	s15 =	simm.s32 $0x0;
	s6 =	smul.u32 s3, s5  }
.Ltmp0:
0xa: {  	s17 =	simm.s32 $0x0;
	s4 =	rddreg [dreg:$0x1];
	(pc) =	sbr.rel .LBB1_1-.Ltmp0, $4  }
0xb: {  	s11 =	simm.s32 $0x0;
	s14 =	simm.s32 $0x0;
	s3 =	rddreg [dreg:$0x2]  }
0xc: {  	_ =	strace $0x8000004A;
	s5 =	simm.s32 $0x1;
	s6 =	smul.u32 $0x6, s6  }
0xd: {  	s7 =	sadd.s32 $0x800, s7;
	s13 =	smov.u32 s1;
	[sflag:s5] =	ssyncpa.u1 $0x0  }
0xe: {  	s12 =	smov.u32 s2;
	[sflag:s8] =	ssyncpa.u1 $0x0;
	s8 =	sor.u32 $0x1, s6  }
.LBB1_4:
0xf: {  	_ =	sdelay $0x2  }
0x10: {  	s21 =	sshrl.u32 s17, $0x3  }
0x11: {  	[tilespmem:v0+s20+$0xFFFFFFD0 ss:$0x1] =	vst.idx.msk $0xffff, v7;
	s22 =	sshll.u32 s16, $0x3;
	s21 =	smul.u32 $0x1800, s21  }
0x12: {  	v56 =	vld.idx.msk [tilespmem:v1+s19+$0x0 ss:$0x1], $0xffff;
	[tilespmem:v0+s20+$0xFFFFFFE0 ss:$0x1] =	vst.idx.msk $0xffff, v5;
	s27 =	sshll.u32 s17, $0x7;
	s22 =	sand.u32 $0xFFFFFC00, s22  }
0x13: {  	v57 =	vld.idx.msk [tilespmem:v1+s19+$0xFFFFFF90 ss:$0x1], $0xffff;
	[tilespmem:v0+s20+$0xFFFFFFF0 ss:$0x1] =	vst.idx.msk $0xffff, v4;
	s17 =	sand.u32 $0x380, s27;
	s21 =	sadd.s32 s21, s22  }
0x14: {  	v58 =	vld.idx.msk [tilespmem:v1+s19+$0xFFFFFFA0 ss:$0x1], $0xffff;
	[tilespmem:v0+s20+$0x0 ss:$0x1] =	vst.idx.msk $0xffff, v2;
	s28 =	sand.u32 $0x7F, s16;
	s17 =	sor.u32 s17, s21  }
0x15: {  	v59 =	vld.idx.msk [tilespmem:v1+s19+$0xFFFFFFB0 ss:$0x1], $0xffff;
	[tilespmem:v0+s20+$0x10 ss:$0x1] =	vst.idx.msk $0xffff, v3;
	s16 =	sor.u32 s28, s17  }
0x16: {  	v60 =	vld.idx.msk [tilespmem:v1+s19+$0xFFFFFFC0 ss:$0x1], $0xffff;
	[tilespmem:v0+s20+$0x20 ss:$0x1] =	vst.idx.msk $0xffff, v6;
	s29 =	smulhi.u32 $0xAAAAAAAB, s16  }
0x17: {  	v61 =	vld.idx.msk [tilespmem:v1+s19+$0xFFFFFFD0 ss:$0x1], $0xffff;
	[tilespmem:v0+s19+$0x30 ss:$0x1] =	vst.idx.msk $0xffff, v56;
	s17 =	smulhi.u32 $0xAAAAAAAB, s17  }
0x18: {  	v62 =	vld.idx.msk [tilespmem:v1+s19+$0xFFFFFFE0 ss:$0x1], $0xffff;
	[tilespmem:v0+s19+$0xFFFFFFC0 ss:$0x1] =	vst.idx.msk $0xffff, v57;
	s20 =	sshrl.u32 s29, $0x9  }
0x19: {  	v63 =	vld.idx.msk [tilespmem:v1+s19+$0xFFFFFFF0 ss:$0x1], $0xffff;
	[tilespmem:v0+s19+$0xFFFFFFD0 ss:$0x1] =	vst.idx.msk $0xffff, v58;
	s17 =	sshrl.u32 s17, $0x9;
	s20 =	smul.u32 $0x300, s20  }
0x1a: {  	s15 =	smul.u32 $0x18000, s15;
	[tilespmem:v0+s19+$0xFFFFFFE0 ss:$0x1] =	vst.idx.msk $0xffff, v59;
	s17 =	sand.u32 $0x3FF, s17  }
0x1b: {  	[tilespmem:v0+s19+$0xFFFFFFF0 ss:$0x1] =	vst.idx.msk $0xffff, v60;
	s17 =	smul.u32 $0x60, s17;
	s16 =	ssub.s32 s16, s20  }
0x1c: {  	s15 =	sadd.s32 s4, s15;
	[tilespmem:v0+s19+$0x0 ss:$0x1] =	vst.idx.msk $0xffff, v61;
	s20 =	sand.u32 $0x7, s16  }
0x1d: {  	[tilespmem:v0+s19+$0x10 ss:$0x1] =	vst.idx.msk $0xffff, v62;
	s15 =	sadd.s32 s17, s15;
	s16 =	sshrl.u32 s16, $0x3;
	s30 =	sshll.u32 s20, $0x12  }
0x1e: {  	[tilespmem:v0+s19+$0x20 ss:$0x1] =	vst.idx.msk $0xffff, v63;
	s15 =	sadd.s32 s16, s15;
	s31 =	sor.u32 $0x400, s30  }
0x1f: {  	[hbm4b:s15+s31] =	stream.strided.scatter [tilespmem:s18], [sflag:$0x2], $0x4000, s9, s31, $0x38;
	[tilespmem:$0x10000] =	vst v63  }
.LBB1_5:
0x20: {  	s18 =	sadd.s32 $0x80, s11  }
0x21: {  	s15 =	sadd.s32 $0x4, s12;
	s19 =	smov.u32 s12;
	p1 =	sgt.s32 s18, $0x2FF  }
0x22: {  	s19 =	smov.u32 @p1 s15  }
0x23: {  	s21 =	smov.u32 s13;
	s15 =	sadd.s32 $0x400, s13;
	p2 =	sgt.s32 s19, $0x4C  }
0x24: {  	s21 =	smov.u32 @p2 s15  }
0x25: {  	s18 =	simm.s32 @p1 $0x0;
	p1 =	sgt.s32 s21, $0x3FF  }
0x26: {  	p0 =	slt.u32 s14, $0x2;
	s21 =	smov.u32 @p1 s1;
	p1 =	sne.s32 s14, s8  }
.Ltmp1:
0x27: {  	s20 =	simm.s32 @!p0 $0x2;
	(pc) =	sbr.rel @!p1 .LBB1_6-.Ltmp1, $4  }
0x28: {  	s16 =	smov.u32 s11;
	s17 =	smov.u32 s13;
	_ =	swait.ge @!p0 [sflag:s20], $0x4000  }
0x29: {  	s10 =	sadd.s32 $0x4000, s10;
	[sflag:s20] =	ssyncset.done @!p0 $0x0;
	s11 =	smov.u32 s18  }
0x2a: {  	s19 =	smov.u32 @p2 s2;
	s15 =	smov.u32 s12;
	[sflag:s20] =	ssyncadd.s32 @!p0 $0xFFFFC000  }
0x2b: {  	s12 =	smov.u32 s19;
	s14 =	sadd.s32 $0x1, s14;
	s13 =	smov.u32 s21  }
.LBB1_1:
0x2c: {  	p0 =	sge.u32 s14, s6  }
0x2d: {  	s18 =	sshrl.u32 @!p0 s12, $0x3  }
0x2e: {  	s19 =	sshll.u32 @!p0 s11, $0x3;
	s18 =	smul.u32 @!p0 $0x1800, s18  }
0x2f: {  	s20 =	sshll.u32 @!p0 s12, $0x7;
	s19 =	sand.u32 @!p0 $0xFFFFFC00, s19  }
0x30: {  	s18 =	sadd.s32 @!p0 s18, s19;
	s19 =	sand.u32 @!p0 $0x380, s20  }
0x31: {  	s18 =	sor.u32 @!p0 s19, s18  }
0x32: {  	s19 =	sand.u32 @!p0 $0x7F, s11;
	s20 =	smulhi.u32 @!p0 $0xAAAAAAAB, s18  }
0x33: {  	s18 =	sor.u32 @!p0 s19, s18  }
0x34: {  	s19 =	smulhi.u32 @!p0 $0xAAAAAAAB, s18;
	s20 =	sshrl.u32 @!p0 s20, $0x9  }
0x35: {  	s21 =	smulhi.u32 @!p0 $0x3333334, s20;
	_ =	sdelay $0x1  }
0x36: {  	s19 =	sshrl.u32 @!p0 s19, $0x9;
	s21 =	smul.u32 @!p0 $0x50, s21  }
0x37: {  	s31 =	sadd.s32 $0xFFFFFFFF, s14;
	s19 =	smul.u32 @!p0 $0x300, s19  }
0x38: {  	s22 =	sxor.u32 @!p0 $0xFFFFFFFF, s14;
	s20 =	ssub.s32 @!p0 s20, s21;
	s21 =	smul.u32 @!p0 $0x1E00, s13  }
0x39: {  	s22 =	sshll.u32 @!p0 s22, $0xE;
	s18 =	ssub.s32 @!p0 s18, s19;
	s19 =	smul.u32 @!p0 $0x60, s20  }
0x3a: {  	s20 =	sand.u32 @!p0 $0x4000, s22;
	s22 =	sand.u32 @!p0 $0x7, s18;
	s21 =	sadd.s32 @!p0 s7, s21  }
0x3b: {  	s18 =	sshrl.u32 @!p0 s18, $0x3;
	s19 =	sadd.s32 @!p0 s19, s21;
	s21 =	sshll.u32 @!p0 s22, $0x12  }
0x3c: {  	s18 =	sadd.s32 @!p0 s18, s19;
	s19 =	sor.u32 @!p0 $0x80, s21;
	s21 =	simm.s32 @!p0 $0xF000  }
0x3d: {  	[tilespmem:s20], [sflag:$0x1] =	stream.strided.gather @!p0 [hbm4b:s18+s19], $0x4000, s21, s19, $0x38;
	[tilespmem:$0x10000] =	vst v63  }
0x3e: {  	p0 =	sge.u32 s31, s6  }
.Ltmp2:
0x3f: {  	_ = 	snop;
	(pc) =	sbr.rel @p0 .LBB1_5-.Ltmp2, $1  }
0x40: {  	_ =	sdelay $0x3  }
0x41: {  	s18 =	sand.u32 $0x4000, s10  }
0x42: {  	s19 =	sor.u32 $0x70, s18  }
0x43: {  	v1 =	vmov s19;
	_ =	sdelay $0x1  }
0x44: {  	_ =	swait.ge [sflag:s5], $0x4000  }
0x45: {  	[sflag:s5] =	ssyncset.done $0x0  }
0x46: {  	s20 =	simm.s32 $0x0;
	[sflag:s5] =	ssyncadd.s32 $0xFFFFC000  }
0x47: {  	s18 =	sor.u32 $0x8040, s18;
	v6 =	vld.idx.msk [tilespmem:v1+s20+$0x0 ss:$0x1], $0xffff  }
0x48: {  	v0 =	vmov s18;
	v8 =	vld.idx.msk [tilespmem:v1+s20+$0xFFFFFF90 ss:$0x1], $0xffff  }
0x49: {  	v7 =	vld.idx.msk [tilespmem:v1+s20+$0xFFFFFFA0 ss:$0x1], $0xffff  }
0x4a: {  	v5 =	vld.idx.msk [tilespmem:v1+s20+$0xFFFFFFB0 ss:$0x1], $0xffff  }
0x4b: {  	v4 =	vld.idx.msk [tilespmem:v1+s20+$0xFFFFFFC0 ss:$0x1], $0xffff  }
0x4c: {  	s31 =	sshll.u32 s14, $0xE;
	v2 =	vld.idx.msk [tilespmem:v1+s20+$0xFFFFFFD0 ss:$0x1], $0xffff  }
0x4d: {  	s18 =	sand.u32 $0x4000, s31;
	v3 =	vld.idx.msk [tilespmem:v1+s20+$0xFFFFFFE0 ss:$0x1], $0xffff;
	[tilespmem:v0+s20+$0x30 ss:$0x1] =	vst.idx.msk $0xffff, v6  }
0x4e: {  	s21 =	simm.s32 $0x400;
	s19 =	simm.s32 $0x80;
	s18 =	sor.u32 $0x8000, s18;
	[tilespmem:v0+s20+$0xFFFFFFC0 ss:$0x1] =	vst.idx.msk $0xffff, v8;
	v6 =	vld.idx.msk [tilespmem:v1+s20+$0xFFFFFFF0 ss:$0x1], $0xffff  }
.LBB1_3:
0x4f: {  	p0 =	sne.s32 s21, $0xFE00;
	v8 =	vld.idx.msk [tilespmem:v1+s19+$0x0 ss:$0x1], $0xffff;
	[tilespmem:v0+s20+$0xFFFFFFD0 ss:$0x1] =	vst.idx.msk $0xffff, v7  }
0x50: {  	v9 =	vld.idx.msk [tilespmem:v1+s19+$0xFFFFFF90 ss:$0x1], $0xffff;
	[tilespmem:v0+s20+$0xFFFFFFE0 ss:$0x1] =	vst.idx.msk $0xffff, v5  }
0x51: {  	v7 =	vld.idx.msk [tilespmem:v1+s19+$0xFFFFFFA0 ss:$0x1], $0xffff;
	[tilespmem:v0+s20+$0xFFFFFFF0 ss:$0x1] =	vst.idx.msk $0xffff, v4  }
.Ltmp3:
0x52: {  	v5 =	vld.idx.msk [tilespmem:v1+s19+$0xFFFFFFB0 ss:$0x1], $0xffff;
	[tilespmem:v0+s20+$0x0 ss:$0x1] =	vst.idx.msk $0xffff, v2;
	(pc) =	sbr.rel @p0 .LBB1_3-.Ltmp3, $4  }
0x53: {  	v4 =	vld.idx.msk [tilespmem:v1+s19+$0xFFFFFFC0 ss:$0x1], $0xffff;
	[tilespmem:v0+s20+$0x10 ss:$0x1] =	vst.idx.msk $0xffff, v3  }
0x54: {  	v2 =	vld.idx.msk [tilespmem:v1+s19+$0xFFFFFFD0 ss:$0x1], $0xffff;
	[tilespmem:v0+s20+$0x20 ss:$0x1] =	vst.idx.msk $0xffff, v6;
	s20 =	smov.u32 s19  }
0x55: {  	v3 =	vld.idx.msk [tilespmem:v1+s20+$0xFFFFFFE0 ss:$0x1], $0xffff;
	[tilespmem:v0+s20+$0x30 ss:$0x1] =	vst.idx.msk $0xffff, v8  }
0x56: {  	s19 =	sshra.s32 s21, $0x2;
	s21 =	sadd.s32 $0x200, s21;
	[tilespmem:v0+s20+$0xFFFFFFC0 ss:$0x1] =	vst.idx.msk $0xffff, v9;
	v6 =	vld.idx.msk [tilespmem:v1+s20+$0xFFFFFFF0 ss:$0x1], $0xffff  }
.Ltmp4:
0x57: {  	_ = 	snop;
	(pc) =	sbr.rel .LBB1_4-.Ltmp4, $1  }
0x58: {  	_ =	sdelay $0x3  }
.LBB1_6:
0x59: {  	_ =	sfence.sel $0x180000  }
0x5a: {  	s1 =	simm.s32 $0x1;
	[bflag:$0x0] =	sbarrier.arrive $0xFFFF  }
0x5b: {  	s31 =	simm.s32 $0x2;
	[sflag:s1] =	ssyncpa.u1 $0x1  }
0x5c: {  	[sflag:s31] =	ssyncpa.u1 $0x1  }
0x5d: {  	p0 =	sne.s32 s0, $0x0;
	_ =	strace $0x9000004A  }
0x5e: {  	s0 =	sadd.s32 @!p0 $0x100000, s3;
	[bflag:$0x2] =	sbarrier.arrive $0xFFFF  }
0x5f: {  	[sflag:s0] =	ssyncadd.tile.s32 @!p0 $0x1;
	_ =	shalt  }
.Lfunc_end1:
_tile_overlayer_lowered:
.L_overlay_start_2:
0x60: {  	(tag) =	ssettag $0x2  }
0x61: {  	s0 =	rddreg [dreg:$0x0];
	s2 =	stileid.u32  }
0x62: {  	s1 =	rddreg [dreg:$0x1];
	p0 =	sne.s32 s2, $0x0  }
0x63: {  	s3 =	rddreg [dreg:$0x2];
	[bflag:$0x3] =	sbarrier.arrive $0xFFFF;
	s2 =	simm.s32 @!p0 $0x1C01  }
0x64: {  	[timem:s3], [sflag:s2] =	dma.local @!p0 [hbm:s0], s1  }
0x65: {  	s0 =	simm.s32 @!p0 $0x1  }
0x66: {  	_ =	swait.ge @!p0 [sflag:s0], s1  }
0x67: {  	s1 =	ssub.s32 @!p0 $0x0, s1;
	[sflag:s0] =	ssyncset.done @!p0 $0x0  }
0x68: {  	[sflag:s0] =	ssyncadd.s32 @!p0 s1  }
0x69: {  	[bflag:$0x3] =	sbarrier.arrive $0xFFFF  }
0x6a: {  	_ =	shalt  }

</sc_bundles>
